<compile_context>
chip_gen: v7x
topology: tpu7x:2x2x1
jax: 0.10.2.dev20260603
libtpu: 0.0.44.dev20260713+nightly
codegen_flags: <defaults>
</compile_context>

<pallas_src>
import functools
import jax
import jax.numpy as jnp
from jax import lax
from jax.experimental import pallas as pl
from jax.experimental.pallas import tpu as pltpu
from jax.experimental.pallas import tpu_sc as plsc

N_CORES = 2
N_SUBCORES = 16
N_TILES = N_CORES * N_SUBCORES
CHUNK = 125



def _make_seg_sum(n_rows: int, n_acc: int, d: int, chunks_per_tile: int,
                  dtype=jnp.bfloat16):
  rows_per_sub = n_acc // N_SUBCORES
  tab_per_sub = n_rows // N_SUBCORES
  mesh = plsc.VectorSubcoreMesh(core_axis_name="c", subcore_axis_name="s")

  def body(rows_hbm, src_hbm, dst_hbm, zeros_hbm, out_hbm,
           src_v, dst_v, buf0_v, buf1_v, tab_sh, acc_sh,
           gsem0, gsem1, ssem0, ssem1):
    cid = lax.axis_index("c")
    sid = lax.axis_index("s")
    wid = cid * N_SUBCORES + sid
    pltpu.sync_copy(rows_hbm.at[pl.ds(sid * tab_per_sub, tab_per_sub)],
                    tab_sh.at[pl.ds(sid * tab_per_sub, tab_per_sub)])
    pltpu.sync_copy(zeros_hbm.at[pl.ds(sid * rows_per_sub, rows_per_sub)],
                    acc_sh.at[pl.ds(sid * rows_per_sub, rows_per_sub)])
    pltpu.sync_copy(src_hbm.at[pl.ds(wid * chunks_per_tile, chunks_per_tile)],
                    src_v)
    pltpu.sync_copy(dst_hbm.at[pl.ds(wid * chunks_per_tile, chunks_per_tile)],
                    dst_v)
    plsc.subcore_barrier()

    g0 = pltpu.async_copy(tab_sh.at[src_v.at[0]], buf0_v, gsem0)

    @pl.loop(0, chunks_per_tile, step=2)
    def _chunk(c):
      g0.wait()
      s0 = pltpu.async_copy(buf0_v, acc_sh.at[dst_v.at[c]], ssem0, add=True)
      g1 = pltpu.async_copy(tab_sh.at[src_v.at[c + 1]], buf1_v, gsem1)
      s0.wait()
      g1.wait()
      s1 = pltpu.async_copy(buf1_v, acc_sh.at[dst_v.at[c + 1]], ssem1,
                            add=True)

      @pl.when(c + 2 < chunks_per_tile)
      def _():
        pltpu.async_copy(tab_sh.at[src_v.at[c + 2]], buf0_v, gsem0)

      s1.wait()

    plsc.subcore_barrier()
    pltpu.sync_copy(acc_sh.at[pl.ds(sid * rows_per_sub, rows_per_sub)],
                    out_hbm.at[cid, pl.ds(sid * rows_per_sub, rows_per_sub)])

  return pl.kernel(
      body,
      out_type=jax.ShapeDtypeStruct((N_CORES, n_acc, d), dtype),
      mesh=mesh,
      compiler_params=pltpu.CompilerParams(use_tc_tiling_on_sc=False),
      scratch_types=[
          pltpu.VMEM((chunks_per_tile, CHUNK), jnp.int32),
          pltpu.VMEM((chunks_per_tile, CHUNK), jnp.int32),
          pltpu.VMEM((CHUNK, d), dtype),
          pltpu.VMEM((CHUNK, d), dtype),
          pltpu.VMEM_SHARED((n_rows, d), dtype),
          pltpu.VMEM_SHARED((n_acc, d), dtype),
          pltpu.SemaphoreType.DMA,
          pltpu.SemaphoreType.DMA,
          pltpu.SemaphoreType.DMA,
          pltpu.SemaphoreType.DMA,
      ],
  )



_DOT_FAST = functools.partial(jnp.dot, preferred_element_type=jnp.float32,
                              precision=lax.Precision.DEFAULT)
_DOT = functools.partial(jnp.dot, preferred_element_type=jnp.float32,
                         precision=lax.Precision.HIGHEST)


def _p_body(x_ref, wl_ref, pext_ref):
  x = x_ref[...]
  p = _DOT_FAST(x, wl_ref[...])
  ones = jnp.ones((x.shape[0], 32), jnp.float32)
  pext_ref[...] = jnp.concatenate([p, ones], axis=1).astype(jnp.bfloat16)


def _base_body(x_ref, wr_ref, b_ref, base_ref):
  base_ref[...] = _DOT(x_ref[...], wr_ref[...]) + b_ref[...]


def _mid_body(part_ref, base_ref, g_ref, bt_ref, wl_ref,
              q_ref, h_ref, cnt_ref):
  hid = base_ref.shape[1]
  agg = (part_ref[0, :, :hid].astype(jnp.float32) +
         part_ref[1, :, :hid].astype(jnp.float32))
  cnt = jnp.maximum(
      part_ref[0, :, hid:hid + 1].astype(jnp.float32) +
      part_ref[1, :, hid:hid + 1].astype(jnp.float32), 1.0)
  h = agg / cnt + base_ref[...]
  mu = jnp.mean(h, axis=0, keepdims=True)
  var = jnp.mean((h - mu) ** 2, axis=0, keepdims=True)
  h = (h - mu) / jnp.sqrt(var + 1e-5) * g_ref[...] + bt_ref[...]
  h = jnp.maximum(h, 0.0)
  q_ref[...] = _DOT_FAST(h, wl_ref[...]).astype(jnp.bfloat16)
  h_ref[...] = h
  cnt_ref[...] = cnt


def _s_body(h_ref, wr_ref, b2_ref, s_ref):
  s_ref[...] = _DOT(h_ref[...], wr_ref[...]) + b2_ref[...]


def _out_body(part_ref, s_ref, cnt_ref, out_ref):
  aggq = (part_ref[0].astype(jnp.float32) +
          part_ref[1].astype(jnp.float32))
  z = aggq / cnt_ref[...] + s_ref[...]
  norm = jnp.sqrt(jnp.sum(z * z, axis=1, keepdims=True))
  out_ref[...] = z / jnp.maximum(norm, 1e-12)



@jax.jit
def kernel(x, edge_index, W1l, b1l, W1r, b1r, gamma, beta, W2l, b2l, W2r, b2r):
  n, in_dim = x.shape
  hid = W1l.shape[1]
  out_dim = W2l.shape[1]
  n_edges = edge_index.shape[1]

  e_pad = -(-n_edges // (2 * N_TILES * CHUNK)) * (2 * N_TILES * CHUNK)
  n_acc = -(-(n + (1 if e_pad != n_edges else 0)) //
            (8 * N_SUBCORES)) * (8 * N_SUBCORES)

  src = edge_index[0].astype(jnp.int32)
  dst = edge_index[1].astype(jnp.int32)
  if e_pad != n_edges:
    src = jnp.concatenate([src, jnp.zeros((e_pad - n_edges,), jnp.int32)])
    dst = jnp.concatenate(
        [dst, jnp.full((e_pad - n_edges,), n_acc - 1, jnp.int32)])
  total_chunks = e_pad // CHUNK
  chunks_per_tile = total_chunks // N_TILES
  src2d = src.reshape(total_chunks, CHUNK)
  dst2d = dst.reshape(total_chunks, CHUNK)

  dp1 = hid + 32
  zeros1 = jnp.zeros((n_acc, dp1), jnp.bfloat16)
  zeros2 = jnp.zeros((n_acc, out_dim), jnp.bfloat16)

  blk = 2000
  grid = n // blk
  b1 = (b1l + b1r).reshape(1, hid)
  pext_pad = pl.pallas_call(
      _p_body,
      grid=(grid,),
      in_specs=[
          pl.BlockSpec((blk, in_dim), lambda i: (i, 0)),
          pl.BlockSpec((in_dim, hid), lambda i: (0, 0)),
      ],
      out_specs=pl.BlockSpec((blk, dp1), lambda i: (i, 0)),
      out_shape=jax.ShapeDtypeStruct((n, dp1), jnp.bfloat16),
  )(x, W1l)

  part1 = _make_seg_sum(n, n_acc, dp1, chunks_per_tile)(
      pext_pad, src2d, dst2d, zeros1)

  base = pl.pallas_call(
      _base_body,
      grid=(grid,),
      in_specs=[
          pl.BlockSpec((blk, in_dim), lambda i: (i, 0)),
          pl.BlockSpec((in_dim, hid), lambda i: (0, 0)),
          pl.BlockSpec((1, hid), lambda i: (0, 0)),
      ],
      out_specs=pl.BlockSpec((blk, hid), lambda i: (i, 0)),
      out_shape=jax.ShapeDtypeStruct((n, hid), jnp.float32),
  )(x, W1r, b1)

  b2 = (b2l + b2r).reshape(1, out_dim)
  q, h, cnt = pl.pallas_call(
      _mid_body,
      compiler_params=pltpu.CompilerParams(
          vmem_limit_bytes=100 * 1024 * 1024),
      grid=(1,),
      in_specs=[
          pl.BlockSpec((2, n, dp1), lambda i: (0, 0, 0)),
          pl.BlockSpec((n, hid), lambda i: (0, 0)),
          pl.BlockSpec((1, hid), lambda i: (0, 0)),
          pl.BlockSpec((1, hid), lambda i: (0, 0)),
          pl.BlockSpec((hid, out_dim), lambda i: (0, 0)),
      ],
      out_specs=[
          pl.BlockSpec((n, out_dim), lambda i: (0, 0)),
          pl.BlockSpec((n, hid), lambda i: (0, 0)),
          pl.BlockSpec((n, 1), lambda i: (0, 0)),
      ],
      out_shape=[
          jax.ShapeDtypeStruct((n, out_dim), jnp.bfloat16),
          jax.ShapeDtypeStruct((n, hid), jnp.float32),
          jax.ShapeDtypeStruct((n, 1), jnp.float32),
      ],
  )(part1, base, gamma.reshape(1, hid), beta.reshape(1, hid), W2l)

  part2 = _make_seg_sum(n, n_acc, out_dim, chunks_per_tile)(
      q, src2d, dst2d, zeros2)

  s = pl.pallas_call(
      _s_body,
      grid=(grid,),
      in_specs=[
          pl.BlockSpec((blk, hid), lambda i: (i, 0)),
          pl.BlockSpec((hid, out_dim), lambda i: (0, 0)),
          pl.BlockSpec((1, out_dim), lambda i: (0, 0)),
      ],
      out_specs=pl.BlockSpec((blk, out_dim), lambda i: (i, 0)),
      out_shape=jax.ShapeDtypeStruct((n, out_dim), jnp.float32),
  )(h, W2r, b2)

  z = pl.pallas_call(
      _out_body,
      grid=(grid,),
      in_specs=[
          pl.BlockSpec((2, blk, out_dim), lambda i: (0, i, 0)),
          pl.BlockSpec((blk, out_dim), lambda i: (i, 0)),
          pl.BlockSpec((blk, 1), lambda i: (i, 0)),
      ],
      out_specs=pl.BlockSpec((blk, out_dim), lambda i: (i, 0)),
      out_shape=jax.ShapeDtypeStruct((n, out_dim), jnp.float32),
  )(part2, s, cnt)
  return z

# --- scband reference (transcript-rebuilt; emitter-appended) ---
"""Pipeline reference for scband-graph-sage-44521630990652 (READ-ONLY COPY).

The authoritative reference and input builder live on the scoring server;
editing this copy changes nothing except your own understanding.
"""

import jax, jax.numpy as jnp
import numpy as np

N_NODES = 10000
N_EDGES = 160000
IN_DIM = 256
HID_DIM = 128
OUT_DIM = 64


def setup_inputs(seed: int = 0) -> dict:
    key = jax.random.key(seed)
    ks = jax.random.split(key, 12)
    x = jax.random.normal(ks[0], (N_NODES, IN_DIM), dtype=jnp.float32)
    edge_index = jax.random.randint(ks[1], (2, N_EDGES), 0, N_NODES, dtype=jnp.int64 if jax.config.jax_enable_x64 else jnp.int32)
    s1 = 1.0 / np.sqrt(IN_DIM)
    s2 = 1.0 / np.sqrt(HID_DIM)
    W1l = jax.random.normal(ks[2], (IN_DIM, HID_DIM), dtype=jnp.float32) * s1
    b1l = jnp.zeros((HID_DIM,), dtype=jnp.float32)
    W1r = jax.random.normal(ks[3], (IN_DIM, HID_DIM), dtype=jnp.float32) * s1
    b1r = jnp.zeros((HID_DIM,), dtype=jnp.float32)
    gamma = jnp.ones((HID_DIM,), dtype=jnp.float32)
    beta = jnp.zeros((HID_DIM,), dtype=jnp.float32)
    W2l = jax.random.normal(ks[4], (HID_DIM, OUT_DIM), dtype=jnp.float32) * s2
    b2l = jnp.zeros((OUT_DIM,), dtype=jnp.float32)
    W2r = jax.random.normal(ks[5], (HID_DIM, OUT_DIM), dtype=jnp.float32) * s2
    b2r = jnp.zeros((OUT_DIM,), dtype=jnp.float32)
    return {"x": x, "edge_index": edge_index, "W1l": W1l, "b1l": b1l, "W1r": W1r, "b1r": b1r,
            "gamma": gamma, "beta": beta, "W2l": W2l, "b2l": b2l, "W2r": W2r, "b2r": b2r}


def _sage_conv(x, edge_index, Wl, bl, Wr, br):
    # PyG SAGEConv(aggr='mean'): out = lin_l(mean_{j->i} x_j) + lin_r(x_i)
    src = edge_index[0]
    dst = edge_index[1]
    msgs = jnp.take(x, src, axis=0)
    agg = jax.ops.segment_sum(msgs, dst, num_segments=N_NODES)
    cnt = jax.ops.segment_sum(jnp.ones((msgs.shape[0],), dtype=x.dtype), dst, num_segments=N_NODES)
    mean = agg / jnp.maximum(cnt, 1.0)[:, None]
    return mean @ Wl + bl + x @ Wr + br


def _batch_norm(x, gamma, beta, eps=1e-5):
    mu = jnp.mean(x, axis=0, keepdims=True)
    var = jnp.mean((x - mu) ** 2, axis=0, keepdims=True)
    return (x - mu) / jnp.sqrt(var + eps) * gamma + beta


def reference(x, edge_index, W1l, b1l, W1r, b1r, gamma, beta, W2l, b2l, W2r, b2r):
    h = _sage_conv(x, edge_index, W1l, b1l, W1r, b1r)
    h = _batch_norm(h, gamma, beta)
    h = jax.nn.relu(h)
    # dropout: identity in eval mode
    z = _sage_conv(h, edge_index, W2l, b2l, W2r, b2r)
    norm = jnp.sqrt(jnp.sum(z * z, axis=1, keepdims=True))
    z = z / jnp.maximum(norm, 1e-12)
    return z

if __name__ == "__main__":
    import jax
    _d = setup_inputs()
    print(jax.jit(kernel)(*tuple(_d.values())))

</pallas_src>

<mosaic_0001>
#map = affine_map<(d0, d1) -> (0, 0)>
#map1 = affine_map<(d0, d1) -> (0, 0, 0)>
module attributes {stable_mosaic.version = 14 : i64} {
  func.func @body(%arg0: i32, %arg1: i32, %arg2: memref<10000x160xbf16, #tpu.memory_space<hbm>>, %arg3: memref<1280x125xi32, #tpu.memory_space<hbm>>, %arg4: memref<1280x125xi32, #tpu.memory_space<hbm>>, %arg5: memref<10112x160xbf16, #tpu.memory_space<hbm>>, %arg6: memref<2x10112x160xbf16, #tpu.memory_space<hbm>>, %arg7: memref<40x125xi32, #tpu.memory_space<vmem>>, %arg8: memref<40x125xi32, #tpu.memory_space<vmem>>, %arg9: memref<125x160xbf16, #tpu.memory_space<vmem>>, %arg10: memref<125x160xbf16, #tpu.memory_space<vmem>>, %arg11: memref<10000x160xbf16, #tpu.memory_space<vmem_shared>>, %arg12: memref<10112x160xbf16, #tpu.memory_space<vmem_shared>>, %arg13: memref<!tpu.dma_semaphore, #tpu.memory_space<semaphore_mem>>, %arg14: memref<!tpu.dma_semaphore, #tpu.memory_space<semaphore_mem>>, %arg15: memref<!tpu.dma_semaphore, #tpu.memory_space<semaphore_mem>>, %arg16: memref<!tpu.dma_semaphore, #tpu.memory_space<semaphore_mem>>) attributes {dimension_semantics = [#tpu.dimension_semantics<core_parallel>, #tpu.dimension_semantics<subcore_parallel>], iteration_bounds = array<i64: 2, 16>, scalar_prefetch = 0 : i64, scratch_operands = 10 : i64, tpu.core_type = #tpu.core_type<sc_vector_subcore>, window_params = [{transform_indices = #map}, {transform_indices = #map}, {transform_indices = #map}, {transform_indices = #map}, {transform_indices = #map1}]} {
    %mul3A = arith.constant 16 : i32
    %mul3A_0 = arith.muli %arg0, %mul3A : i32
    %add3A = arith.addi %mul3A_0, %arg1 : i32
    %mul3A_1 = arith.constant 625 : i32
    %mul3A_2 = arith.muli %arg1, %mul3A_1 : i32
    %mul3A_3 = arith.constant 625 : i32
    %mul3A_4 = arith.muli %arg1, %mul3A_3 : i32
    "tpu.region"() ({
      %run_scoped3A = tpu.sem_alloc : memref<!tpu.dma_semaphore, #tpu.memory_space<semaphore_mem>>
      %dma_start3A_29 = arith.constant 0 : i32
      %dma_start3A_30 = tpu.memref_slice %arg11[%mul3A_4, %dma_start3A_29] : memref<10000x160xbf16, #tpu.memory_space<vmem_shared>> -> memref<625x160xbf16, #tpu.memory_space<vmem_shared>>
      %dma_start3A_31 = arith.constant 0 : i32
      %dma_start3A_32 = tpu.memref_slice %arg2[%mul3A_2, %dma_start3A_31] : memref<10000x160xbf16, #tpu.memory_space<hbm>> -> memref<625x160xbf16, #tpu.memory_space<hbm>>
      tpu.enqueue_dma source(%dma_start3A_32 : memref<625x160xbf16, #tpu.memory_space<hbm>>) target(%dma_start3A_30 : memref<625x160xbf16, #tpu.memory_space<vmem_shared>>) target_semaphore(%run_scoped3A : memref<!tpu.dma_semaphore, #tpu.memory_space<semaphore_mem>>)
      %dma_wait3A = arith.constant 0 : i32
      %dma_wait3A_33 = tpu.memref_slice %arg11[%mul3A_4, %dma_wait3A] : memref<10000x160xbf16, #tpu.memory_space<vmem_shared>> -> memref<625x160xbf16, #tpu.memory_space<vmem_shared>>
      %dma_wait3A_34 = arith.constant 0 : i32
      %dma_wait3A_35 = tpu.memref_slice %arg2[%mul3A_2, %dma_wait3A_34] : memref<10000x160xbf16, #tpu.memory_space<hbm>> -> memref<625x160xbf16, #tpu.memory_space<hbm>>
      tpu.wait_dma2 semaphore(%run_scoped3A : memref<!tpu.dma_semaphore, #tpu.memory_space<semaphore_mem>>) src(%dma_wait3A_35 : memref<625x160xbf16, #tpu.memory_space<hbm>>) dst(%dma_wait3A_33 : memref<625x160xbf16, #tpu.memory_space<vmem_shared>>)
      tpu.yield
    }) : () -> ()
    %mul3A_5 = arith.constant 632 : i32
    %mul3A_6 = arith.muli %arg1, %mul3A_5 : i32
    %mul3A_7 = arith.constant 632 : i32
    %mul3A_8 = arith.muli %arg1, %mul3A_7 : i32
    "tpu.region"() ({
      %run_scoped3A = tpu.sem_alloc : memref<!tpu.dma_semaphore, #tpu.memory_space<semaphore_mem>>
      %dma_start3A_29 = arith.constant 0 : i32
      %dma_start3A_30 = tpu.memref_slice %arg12[%mul3A_8, %dma_start3A_29] : memref<10112x160xbf16, #tpu.memory_space<vmem_shared>> -> memref<632x160xbf16, #tpu.memory_space<vmem_shared>>
      %dma_start3A_31 = arith.constant 0 : i32
      %dma_start3A_32 = tpu.memref_slice %arg5[%mul3A_6, %dma_start3A_31] : memref<10112x160xbf16, #tpu.memory_space<hbm>> -> memref<632x160xbf16, #tpu.memory_space<hbm>>
      tpu.enqueue_dma source(%dma_start3A_32 : memref<632x160xbf16, #tpu.memory_space<hbm>>) target(%dma_start3A_30 : memref<632x160xbf16, #tpu.memory_space<vmem_shared>>) target_semaphore(%run_scoped3A : memref<!tpu.dma_semaphore, #tpu.memory_space<semaphore_mem>>)
      %dma_wait3A = arith.constant 0 : i32
      %dma_wait3A_33 = tpu.memref_slice %arg12[%mul3A_8, %dma_wait3A] : memref<10112x160xbf16, #tpu.memory_space<vmem_shared>> -> memref<632x160xbf16, #tpu.memory_space<vmem_shared>>
      %dma_wait3A_34 = arith.constant 0 : i32
      %dma_wait3A_35 = tpu.memref_slice %arg5[%mul3A_6, %dma_wait3A_34] : memref<10112x160xbf16, #tpu.memory_space<hbm>> -> memref<632x160xbf16, #tpu.memory_space<hbm>>
      tpu.wait_dma2 semaphore(%run_scoped3A : memref<!tpu.dma_semaphore, #tpu.memory_space<semaphore_mem>>) src(%dma_wait3A_35 : memref<632x160xbf16, #tpu.memory_space<hbm>>) dst(%dma_wait3A_33 : memref<632x160xbf16, #tpu.memory_space<vmem_shared>>)
      tpu.yield
    }) : () -> ()
    %mul3A_9 = arith.constant 40 : i32
    %mul3A_10 = arith.muli %add3A, %mul3A_9 : i32
    "tpu.region"() ({
      %run_scoped3A = tpu.sem_alloc : memref<!tpu.dma_semaphore, #tpu.memory_space<semaphore_mem>>
      %dma_start3A_29 = arith.constant 0 : i32
      %dma_start3A_30 = tpu.memref_slice %arg3[%mul3A_10, %dma_start3A_29] : memref<1280x125xi32, #tpu.memory_space<hbm>> -> memref<40x125xi32, #tpu.memory_space<hbm>>
      %dma_start3A_31 = arith.constant 0 : i32
      %dma_start3A_32 = tpu.memref_slice %arg3[%mul3A_10, %dma_start3A_31] : memref<1280x125xi32, #tpu.memory_space<hbm>> -> memref<40x125xi32, #tpu.memory_space<hbm>>
      tpu.enqueue_dma source(%dma_start3A_32 : memref<40x125xi32, #tpu.memory_space<hbm>>) target(%arg7 : memref<40x125xi32, #tpu.memory_space<vmem>>) target_semaphore(%run_scoped3A : memref<!tpu.dma_semaphore, #tpu.memory_space<semaphore_mem>>)
      %dma_wait3A = arith.constant 0 : i32
      %dma_wait3A_33 = tpu.memref_slice %arg3[%mul3A_10, %dma_wait3A] : memref<1280x125xi32, #tpu.memory_space<hbm>> -> memref<40x125xi32, #tpu.memory_space<hbm>>
      %dma_wait3A_34 = arith.constant 0 : i32
      %dma_wait3A_35 = tpu.memref_slice %arg3[%mul3A_10, %dma_wait3A_34] : memref<1280x125xi32, #tpu.memory_space<hbm>> -> memref<40x125xi32, #tpu.memory_space<hbm>>
      tpu.wait_dma2 semaphore(%run_scoped3A : memref<!tpu.dma_semaphore, #tpu.memory_space<semaphore_mem>>) src(%dma_wait3A_35 : memref<40x125xi32, #tpu.memory_space<hbm>>) dst(%arg7 : memref<40x125xi32, #tpu.memory_space<vmem>>)
      tpu.yield
    }) : () -> ()
    %mul3A_11 = arith.constant 40 : i32
    %mul3A_12 = arith.muli %add3A, %mul3A_11 : i32
    "tpu.region"() ({
      %run_scoped3A = tpu.sem_alloc : memref<!tpu.dma_semaphore, #tpu.memory_space<semaphore_mem>>
      %dma_start3A_29 = arith.constant 0 : i32
      %dma_start3A_30 = tpu.memref_slice %arg4[%mul3A_12, %dma_start3A_29] : memref<1280x125xi32, #tpu.memory_space<hbm>> -> memref<40x125xi32, #tpu.memory_space<hbm>>
      %dma_start3A_31 = arith.constant 0 : i32
      %dma_start3A_32 = tpu.memref_slice %arg4[%mul3A_12, %dma_start3A_31] : memref<1280x125xi32, #tpu.memory_space<hbm>> -> memref<40x125xi32, #tpu.memory_space<hbm>>
      tpu.enqueue_dma source(%dma_start3A_32 : memref<40x125xi32, #tpu.memory_space<hbm>>) target(%arg8 : memref<40x125xi32, #tpu.memory_space<vmem>>) target_semaphore(%run_scoped3A : memref<!tpu.dma_semaphore, #tpu.memory_space<semaphore_mem>>)
      %dma_wait3A = arith.constant 0 : i32
      %dma_wait3A_33 = tpu.memref_slice %arg4[%mul3A_12, %dma_wait3A] : memref<1280x125xi32, #tpu.memory_space<hbm>> -> memref<40x125xi32, #tpu.memory_space<hbm>>
      %dma_wait3A_34 = arith.constant 0 : i32
      %dma_wait3A_35 = tpu.memref_slice %arg4[%mul3A_12, %dma_wait3A_34] : memref<1280x125xi32, #tpu.memory_space<hbm>> -> memref<40x125xi32, #tpu.memory_space<hbm>>
      tpu.wait_dma2 semaphore(%run_scoped3A : memref<!tpu.dma_semaphore, #tpu.memory_space<semaphore_mem>>) src(%dma_wait3A_35 : memref<40x125xi32, #tpu.memory_space<hbm>>) dst(%arg8 : memref<40x125xi32, #tpu.memory_space<vmem>>)
      tpu.yield
    }) : () -> ()
    %barrier3A = arith.constant 0 : index
    tpu.barrier barrier_id(%barrier3A)
    %dma_start3A = arith.constant 0 : i32
    %dma_start3A_13 = arith.constant 0 : i32
    %dma_start3A_14 = tpu.memref_slice %arg7[%dma_start3A, %dma_start3A_13] : memref<40x125xi32, #tpu.memory_space<vmem>> -> memref<1x125xi32, #tpu.memory_space<vmem>>
    %dma_start3A_15 = tpu.memref_squeeze %dma_start3A_14 : memref<1x125xi32, #tpu.memory_space<vmem>> -> memref<125xi32, #tpu.memory_space<vmem>>
    %dma_start3A_16 = arith.constant 0 : i32
    %dma_start3A_17 = arith.constant 0 : i32
    %dma_start3A_18 = tpu.memref_slice %arg11[%dma_start3A_16, %dma_start3A_17] : memref<10000x160xbf16, #tpu.memory_space<vmem_shared>> -> memref<10000x160xbf16, #tpu.memory_space<vmem_shared>>
    tpu.enqueue_indirect_dma source(%dma_start3A_18 : memref<10000x160xbf16, #tpu.memory_space<vmem_shared>>) target(%arg9 : memref<125x160xbf16, #tpu.memory_space<vmem>>) offsets(%dma_start3A_15 : memref<125xi32, #tpu.memory_space<vmem>>) semaphore(%arg13 : memref<!tpu.dma_semaphore, #tpu.memory_space<semaphore_mem>>)
    %scan3A = arith.constant 0 : i32
    %scan3A_19 = arith.constant 0 : i32
    %scan3A_20 = arith.constant 20 : i32
    %scan3A_21 = arith.addi %scan3A_19, %scan3A_20 : i32
    %scan3A_22 = arith.constant 1 : i32
    scf.for %scan3A_29 = %scan3A_19 to %scan3A_21 step %scan3A_22  : i32 {
      %mul3A_30 = arith.constant 2 : i32
      %mul3A_31 = arith.muli %scan3A_29, %mul3A_30 : i32
      %add3A_32 = arith.constant 0 : i32
      %add3A_33 = arith.addi %add3A_32, %mul3A_31 : i32
      %dma_wait3A = arith.constant 0 : i32
      %dma_wait3A_34 = tpu.memref_slice %arg7[%scan3A, %dma_wait3A] : memref<40x125xi32, #tpu.memory_space<vmem>> -> memref<1x125xi32, #tpu.memory_space<vmem>>
      %dma_wait3A_35 = tpu.memref_squeeze %dma_wait3A_34 : memref<1x125xi32, #tpu.memory_space<vmem>> -> memref<125xi32, #tpu.memory_space<vmem>>
      %dma_wait3A_36 = arith.constant 0 : i32
      %dma_wait3A_37 = arith.constant 0 : i32
      %dma_wait3A_38 = tpu.memref_slice %arg11[%dma_wait3A_36, %dma_wait3A_37] : memref<10000x160xbf16, #tpu.memory_space<vmem_shared>> -> memref<10000x160xbf16, #tpu.memory_space<vmem_shared>>
      tpu.wait_indirect_dma semaphore(%arg13 : memref<!tpu.dma_semaphore, #tpu.memory_space<semaphore_mem>>) src(%dma_wait3A_38 : memref<10000x160xbf16, #tpu.memory_space<vmem_shared>>) dst(%arg9 : memref<125x160xbf16, #tpu.memory_space<vmem>>)
      %dma_start3A_39 = arith.constant 0 : i32
      %dma_start3A_40 = tpu.memref_slice %arg8[%add3A_33, %dma_start3A_39] : memref<40x125xi32, #tpu.memory_space<vmem>> -> memref<1x125xi32, #tpu.memory_space<vmem>>
      %dma_start3A_41 = tpu.memref_squeeze %dma_start3A_40 : memref<1x125xi32, #tpu.memory_space<vmem>> -> memref<125xi32, #tpu.memory_space<vmem>>
      %dma_start3A_42 = arith.constant 0 : i32
      %dma_start3A_43 = arith.constant 0 : i32
      %dma_start3A_44 = tpu.memref_slice %arg12[%dma_start3A_42, %dma_start3A_43] : memref<10112x160xbf16, #tpu.memory_space<vmem_shared>> -> memref<10112x160xbf16, #tpu.memory_space<vmem_shared>>
      tpu.enqueue_indirect_dma source(%arg9 : memref<125x160xbf16, #tpu.memory_space<vmem>>) target(%dma_start3A_44 : memref<10112x160xbf16, #tpu.memory_space<vmem_shared>>) offsets(%dma_start3A_41 : memref<125xi32, #tpu.memory_space<vmem>>) semaphore(%arg15 : memref<!tpu.dma_semaphore, #tpu.memory_space<semaphore_mem>>) {add = true}
      %add3A_45 = arith.constant 1 : i32
      %add3A_46 = arith.addi %add3A_33, %add3A_45 : i32
      %dma_start3A_47 = arith.constant 0 : i32
      %dma_start3A_48 = tpu.memref_slice %arg7[%add3A_46, %dma_start3A_47] : memref<40x125xi32, #tpu.memory_space<vmem>> -> memref<1x125xi32, #tpu.memory_space<vmem>>
      %dma_start3A_49 = tpu.memref_squeeze %dma_start3A_48 : memref<1x125xi32, #tpu.memory_space<vmem>> -> memref<125xi32, #tpu.memory_space<vmem>>
      %dma_start3A_50 = arith.constant 0 : i32
      %dma_start3A_51 = arith.constant 0 : i32
      %dma_start3A_52 = tpu.memref_slice %arg11[%dma_start3A_50, %dma_start3A_51] : memref<10000x160xbf16, #tpu.memory_space<vmem_shared>> -> memref<10000x160xbf16, #tpu.memory_space<vmem_shared>>
      tpu.enqueue_indirect_dma source(%dma_start3A_52 : memref<10000x160xbf16, #tpu.memory_space<vmem_shared>>) target(%arg10 : memref<125x160xbf16, #tpu.memory_space<vmem>>) offsets(%dma_start3A_49 : memref<125xi32, #tpu.memory_space<vmem>>) semaphore(%arg14 : memref<!tpu.dma_semaphore, #tpu.memory_space<semaphore_mem>>)
      %dma_wait3A_53 = arith.constant 0 : i32
      %dma_wait3A_54 = tpu.memref_slice %arg8[%add3A_33, %dma_wait3A_53] : memref<40x125xi32, #tpu.memory_space<vmem>> -> memref<1x125xi32, #tpu.memory_space<vmem>>
      %dma_wait3A_55 = tpu.memref_squeeze %dma_wait3A_54 : memref<1x125xi32, #tpu.memory_space<vmem>> -> memref<125xi32, #tpu.memory_space<vmem>>
      %dma_wait3A_56 = arith.constant 0 : i32
      %dma_wait3A_57 = arith.constant 0 : i32
      %dma_wait3A_58 = tpu.memref_slice %arg12[%dma_wait3A_56, %dma_wait3A_57] : memref<10112x160xbf16, #tpu.memory_space<vmem_shared>> -> memref<10112x160xbf16, #tpu.memory_space<vmem_shared>>
      tpu.wait_indirect_dma semaphore(%arg15 : memref<!tpu.dma_semaphore, #tpu.memory_space<semaphore_mem>>) src(%arg9 : memref<125x160xbf16, #tpu.memory_space<vmem>>) dst(%dma_wait3A_58 : memref<10112x160xbf16, #tpu.memory_space<vmem_shared>>)
      %dma_wait3A_59 = arith.constant 0 : i32
      %dma_wait3A_60 = tpu.memref_slice %arg7[%add3A_46, %dma_wait3A_59] : memref<40x125xi32, #tpu.memory_space<vmem>> -> memref<1x125xi32, #tpu.memory_space<vmem>>
      %dma_wait3A_61 = tpu.memref_squeeze %dma_wait3A_60 : memref<1x125xi32, #tpu.memory_space<vmem>> -> memref<125xi32, #tpu.memory_space<vmem>>
      %dma_wait3A_62 = arith.constant 0 : i32
      %dma_wait3A_63 = arith.constant 0 : i32
      %dma_wait3A_64 = tpu.memref_slice %arg11[%dma_wait3A_62, %dma_wait3A_63] : memref<10000x160xbf16, #tpu.memory_space<vmem_shared>> -> memref<10000x160xbf16, #tpu.memory_space<vmem_shared>>
      tpu.wait_indirect_dma semaphore(%arg14 : memref<!tpu.dma_semaphore, #tpu.memory_space<semaphore_mem>>) src(%dma_wait3A_64 : memref<10000x160xbf16, #tpu.memory_space<vmem_shared>>) dst(%arg10 : memref<125x160xbf16, #tpu.memory_space<vmem>>)
      %add3A_65 = arith.constant 1 : i32
      %add3A_66 = arith.addi %add3A_33, %add3A_65 : i32
      %dma_start3A_67 = arith.constant 0 : i32
      %dma_start3A_68 = tpu.memref_slice %arg8[%add3A_66, %dma_start3A_67] : memref<40x125xi32, #tpu.memory_space<vmem>> -> memref<1x125xi32, #tpu.memory_space<vmem>>
      %dma_start3A_69 = tpu.memref_squeeze %dma_start3A_68 : memref<1x125xi32, #tpu.memory_space<vmem>> -> memref<125xi32, #tpu.memory_space<vmem>>
      %dma_start3A_70 = arith.constant 0 : i32
      %dma_start3A_71 = arith.constant 0 : i32
      %dma_start3A_72 = tpu.memref_slice %arg12[%dma_start3A_70, %dma_start3A_71] : memref<10112x160xbf16, #tpu.memory_space<vmem_shared>> -> memref<10112x160xbf16, #tpu.memory_space<vmem_shared>>
      tpu.enqueue_indirect_dma source(%arg10 : memref<125x160xbf16, #tpu.memory_space<vmem>>) target(%dma_start3A_72 : memref<10112x160xbf16, #tpu.memory_space<vmem_shared>>) offsets(%dma_start3A_69 : memref<125xi32, #tpu.memory_space<vmem>>) semaphore(%arg16 : memref<!tpu.dma_semaphore, #tpu.memory_space<semaphore_mem>>) {add = true}
      %add3A_73 = arith.constant 2 : i32
      %add3A_74 = arith.addi %add3A_33, %add3A_73 : i32
      %lt3A = arith.constant 40 : i32
      %lt3A_75 = arith.cmpi slt, %add3A_74, %lt3A : i32
      %convert_element_type3A = arith.extui %lt3A_75 : i1 to i32
      %cond3A = arith.constant 0 : i32
      %cond3A_76 = arith.cmpi ne, %convert_element_type3A, %cond3A : i32
      scf.if %cond3A_76 {
        %add3A_83 = arith.constant 2 : i32
        %add3A_84 = arith.addi %add3A_33, %add3A_83 : i32
        %dma_start3A_85 = arith.constant 0 : i32
        %dma_start3A_86 = tpu.memref_slice %arg7[%add3A_84, %dma_start3A_85] : memref<40x125xi32, #tpu.memory_space<vmem>> -> memref<1x125xi32, #tpu.memory_space<vmem>>
        %dma_start3A_87 = tpu.memref_squeeze %dma_start3A_86 : memref<1x125xi32, #tpu.memory_space<vmem>> -> memref<125xi32, #tpu.memory_space<vmem>>
        %dma_start3A_88 = arith.constant 0 : i32
        %dma_start3A_89 = arith.constant 0 : i32
        %dma_start3A_90 = tpu.memref_slice %arg11[%dma_start3A_88, %dma_start3A_89] : memref<10000x160xbf16, #tpu.memory_space<vmem_shared>> -> memref<10000x160xbf16, #tpu.memory_space<vmem_shared>>
        tpu.enqueue_indirect_dma source(%dma_start3A_90 : memref<10000x160xbf16, #tpu.memory_space<vmem_shared>>) target(%arg9 : memref<125x160xbf16, #tpu.memory_space<vmem>>) offsets(%dma_start3A_87 : memref<125xi32, #tpu.memory_space<vmem>>) semaphore(%arg13 : memref<!tpu.dma_semaphore, #tpu.memory_space<semaphore_mem>>)
      } else {
      }
      %dma_wait3A_77 = arith.constant 0 : i32
      %dma_wait3A_78 = tpu.memref_slice %arg8[%add3A_66, %dma_wait3A_77] : memref<40x125xi32, #tpu.memory_space<vmem>> -> memref<1x125xi32, #tpu.memory_space<vmem>>
      %dma_wait3A_79 = tpu.memref_squeeze %dma_wait3A_78 : memref<1x125xi32, #tpu.memory_space<vmem>> -> memref<125xi32, #tpu.memory_space<vmem>>
      %dma_wait3A_80 = arith.constant 0 : i32
      %dma_wait3A_81 = arith.constant 0 : i32
      %dma_wait3A_82 = tpu.memref_slice %arg12[%dma_wait3A_80, %dma_wait3A_81] : memref<10112x160xbf16, #tpu.memory_space<vmem_shared>> -> memref<10112x160xbf16, #tpu.memory_space<vmem_shared>>
      tpu.wait_indirect_dma semaphore(%arg16 : memref<!tpu.dma_semaphore, #tpu.memory_space<semaphore_mem>>) src(%arg10 : memref<125x160xbf16, #tpu.memory_space<vmem>>) dst(%dma_wait3A_82 : memref<10112x160xbf16, #tpu.memory_space<vmem_shared>>)
    }
    %scan3A_23 = arith.constant 20 : i32
    %barrier3A_24 = arith.constant 0 : index
    tpu.barrier barrier_id(%barrier3A_24)
    %mul3A_25 = arith.constant 632 : i32
    %mul3A_26 = arith.muli %arg1, %mul3A_25 : i32
    %mul3A_27 = arith.constant 632 : i32
    %mul3A_28 = arith.muli %arg1, %mul3A_27 : i32
    "tpu.region"() ({
      %run_scoped3A = tpu.sem_alloc : memref<!tpu.dma_semaphore, #tpu.memory_space<semaphore_mem>>
      %dma_start3A_29 = arith.constant 0 : i32
      %dma_start3A_30 = tpu.memref_slice %arg6[%arg0, %mul3A_28, %dma_start3A_29] : memref<2x10112x160xbf16, #tpu.memory_space<hbm>> -> memref<1x632x160xbf16, #tpu.memory_space<hbm>>
      %dma_start3A_31 = tpu.memref_squeeze %dma_start3A_30 : memref<1x632x160xbf16, #tpu.memory_space<hbm>> -> memref<632x160xbf16, #tpu.memory_space<hbm>>
      %dma_start3A_32 = arith.constant 0 : i32
      %dma_start3A_33 = tpu.memref_slice %arg12[%mul3A_26, %dma_start3A_32] : memref<10112x160xbf16, #tpu.memory_space<vmem_shared>> -> memref<632x160xbf16, #tpu.memory_space<vmem_shared>>
      tpu.enqueue_dma source(%dma_start3A_33 : memref<632x160xbf16, #tpu.memory_space<vmem_shared>>) target(%dma_start3A_31 : memref<632x160xbf16, #tpu.memory_space<hbm>>) target_semaphore(%run_scoped3A : memref<!tpu.dma_semaphore, #tpu.memory_space<semaphore_mem>>)
      %dma_wait3A = arith.constant 0 : i32
      %dma_wait3A_34 = tpu.memref_slice %arg6[%arg0, %mul3A_28, %dma_wait3A] : memref<2x10112x160xbf16, #tpu.memory_space<hbm>> -> memref<1x632x160xbf16, #tpu.memory_space<hbm>>
      %dma_wait3A_35 = tpu.memref_squeeze %dma_wait3A_34 : memref<1x632x160xbf16, #tpu.memory_space<hbm>> -> memref<632x160xbf16, #tpu.memory_space<hbm>>
      %dma_wait3A_36 = arith.constant 0 : i32
      %dma_wait3A_37 = tpu.memref_slice %arg12[%mul3A_26, %dma_wait3A_36] : memref<10112x160xbf16, #tpu.memory_space<vmem_shared>> -> memref<632x160xbf16, #tpu.memory_space<vmem_shared>>
      tpu.wait_dma2 semaphore(%run_scoped3A : memref<!tpu.dma_semaphore, #tpu.memory_space<semaphore_mem>>) src(%dma_wait3A_37 : memref<632x160xbf16, #tpu.memory_space<vmem_shared>>) dst(%dma_wait3A_35 : memref<632x160xbf16, #tpu.memory_space<hbm>>)
      tpu.yield
    }) : () -> ()
    return
  }
}

#map = affine_map<(d0, d1) -> (0, 0)>
#map1 = affine_map<(d0, d1) -> (0, 0, 0)>
module attributes {stable_mosaic.version = 14 : i64} {
  func.func @body(%arg0: i32, %arg1: i32, %arg2: memref<10000x64xbf16, #tpu.memory_space<hbm>>, %arg3: memref<1280x125xi32, #tpu.memory_space<hbm>>, %arg4: memref<1280x125xi32, #tpu.memory_space<hbm>>, %arg5: memref<10112x64xbf16, #tpu.memory_space<hbm>>, %arg6: memref<2x10112x64xbf16, #tpu.memory_space<hbm>>, %arg7: memref<40x125xi32, #tpu.memory_space<vmem>>, %arg8: memref<40x125xi32, #tpu.memory_space<vmem>>, %arg9: memref<125x64xbf16, #tpu.memory_space<vmem>>, %arg10: memref<125x64xbf16, #tpu.memory_space<vmem>>, %arg11: memref<10000x64xbf16, #tpu.memory_space<vmem_shared>>, %arg12: memref<10112x64xbf16, #tpu.memory_space<vmem_shared>>, %arg13: memref<!tpu.dma_semaphore, #tpu.memory_space<semaphore_mem>>, %arg14: memref<!tpu.dma_semaphore, #tpu.memory_space<semaphore_mem>>, %arg15: memref<!tpu.dma_semaphore, #tpu.memory_space<semaphore_mem>>, %arg16: memref<!tpu.dma_semaphore, #tpu.memory_space<semaphore_mem>>) attributes {dimension_semantics = [#tpu.dimension_semantics<core_parallel>, #tpu.dimension_semantics<subcore_parallel>], iteration_bounds = array<i64: 2, 16>, scalar_prefetch = 0 : i64, scratch_operands = 10 : i64, tpu.core_type = #tpu.core_type<sc_vector_subcore>, window_params = [{transform_indices = #map}, {transform_indices = #map}, {transform_indices = #map}, {transform_indices = #map}, {transform_indices = #map1}]} {
    %mul3A = arith.constant 16 : i32
    %mul3A_0 = arith.muli %arg0, %mul3A : i32
    %add3A = arith.addi %mul3A_0, %arg1 : i32
    %mul3A_1 = arith.constant 625 : i32
    %mul3A_2 = arith.muli %arg1, %mul3A_1 : i32
    %mul3A_3 = arith.constant 625 : i32
    %mul3A_4 = arith.muli %arg1, %mul3A_3 : i32
    "tpu.region"() ({
      %run_scoped3A = tpu.sem_alloc : memref<!tpu.dma_semaphore, #tpu.memory_space<semaphore_mem>>
      %dma_start3A_29 = arith.constant 0 : i32
      %dma_start3A_30 = tpu.memref_slice %arg11[%mul3A_4, %dma_start3A_29] : memref<10000x64xbf16, #tpu.memory_space<vmem_shared>> -> memref<625x64xbf16, #tpu.memory_space<vmem_shared>>
      %dma_start3A_31 = arith.constant 0 : i32
      %dma_start3A_32 = tpu.memref_slice %arg2[%mul3A_2, %dma_start3A_31] : memref<10000x64xbf16, #tpu.memory_space<hbm>> -> memref<625x64xbf16, #tpu.memory_space<hbm>>
      tpu.enqueue_dma source(%dma_start3A_32 : memref<625x64xbf16, #tpu.memory_space<hbm>>) target(%dma_start3A_30 : memref<625x64xbf16, #tpu.memory_space<vmem_shared>>) target_semaphore(%run_scoped3A : memref<!tpu.dma_semaphore, #tpu.memory_space<semaphore_mem>>)
      %dma_wait3A = arith.constant 0 : i32
      %dma_wait3A_33 = tpu.memref_slice %arg11[%mul3A_4, %dma_wait3A] : memref<10000x64xbf16, #tpu.memory_space<vmem_shared>> -> memref<625x64xbf16, #tpu.memory_space<vmem_shared>>
      %dma_wait3A_34 = arith.constant 0 : i32
      %dma_wait3A_35 = tpu.memref_slice %arg2[%mul3A_2, %dma_wait3A_34] : memref<10000x64xbf16, #tpu.memory_space<hbm>> -> memref<625x64xbf16, #tpu.memory_space<hbm>>
      tpu.wait_dma2 semaphore(%run_scoped3A : memref<!tpu.dma_semaphore, #tpu.memory_space<semaphore_mem>>) src(%dma_wait3A_35 : memref<625x64xbf16, #tpu.memory_space<hbm>>) dst(%dma_wait3A_33 : memref<625x64xbf16, #tpu.memory_space<vmem_shared>>)
      tpu.yield
    }) : () -> ()
    %mul3A_5 = arith.constant 632 : i32
    %mul3A_6 = arith.muli %arg1, %mul3A_5 : i32
    %mul3A_7 = arith.constant 632 : i32
    %mul3A_8 = arith.muli %arg1, %mul3A_7 : i32
    "tpu.region"() ({
      %run_scoped3A = tpu.sem_alloc : memref<!tpu.dma_semaphore, #tpu.memory_space<semaphore_mem>>
      %dma_start3A_29 = arith.constant 0 : i32
      %dma_start3A_30 = tpu.memref_slice %arg12[%mul3A_8, %dma_start3A_29] : memref<10112x64xbf16, #tpu.memory_space<vmem_shared>> -> memref<632x64xbf16, #tpu.memory_space<vmem_shared>>
      %dma_start3A_31 = arith.constant 0 : i32
      %dma_start3A_32 = tpu.memref_slice %arg5[%mul3A_6, %dma_start3A_31] : memref<10112x64xbf16, #tpu.memory_space<hbm>> -> memref<632x64xbf16, #tpu.memory_space<hbm>>
      tpu.enqueue_dma source(%dma_start3A_32 : memref<632x64xbf16, #tpu.memory_space<hbm>>) target(%dma_start3A_30 : memref<632x64xbf16, #tpu.memory_space<vmem_shared>>) target_semaphore(%run_scoped3A : memref<!tpu.dma_semaphore, #tpu.memory_space<semaphore_mem>>)
      %dma_wait3A = arith.constant 0 : i32
      %dma_wait3A_33 = tpu.memref_slice %arg12[%mul3A_8, %dma_wait3A] : memref<10112x64xbf16, #tpu.memory_space<vmem_shared>> -> memref<632x64xbf16, #tpu.memory_space<vmem_shared>>
      %dma_wait3A_34 = arith.constant 0 : i32
      %dma_wait3A_35 = tpu.memref_slice %arg5[%mul3A_6, %dma_wait3A_34] : memref<10112x64xbf16, #tpu.memory_space<hbm>> -> memref<632x64xbf16, #tpu.memory_space<hbm>>
      tpu.wait_dma2 semaphore(%run_scoped3A : memref<!tpu.dma_semaphore, #tpu.memory_space<semaphore_mem>>) src(%dma_wait3A_35 : memref<632x64xbf16, #tpu.memory_space<hbm>>) dst(%dma_wait3A_33 : memref<632x64xbf16, #tpu.memory_space<vmem_shared>>)
      tpu.yield
    }) : () -> ()
    %mul3A_9 = arith.constant 40 : i32
    %mul3A_10 = arith.muli %add3A, %mul3A_9 : i32
    "tpu.region"() ({
      %run_scoped3A = tpu.sem_alloc : memref<!tpu.dma_semaphore, #tpu.memory_space<semaphore_mem>>
      %dma_start3A_29 = arith.constant 0 : i32
      %dma_start3A_30 = tpu.memref_slice %arg3[%mul3A_10, %dma_start3A_29] : memref<1280x125xi32, #tpu.memory_space<hbm>> -> memref<40x125xi32, #tpu.memory_space<hbm>>
      %dma_start3A_31 = arith.constant 0 : i32
      %dma_start3A_32 = tpu.memref_slice %arg3[%mul3A_10, %dma_start3A_31] : memref<1280x125xi32, #tpu.memory_space<hbm>> -> memref<40x125xi32, #tpu.memory_space<hbm>>
      tpu.enqueue_dma source(%dma_start3A_32 : memref<40x125xi32, #tpu.memory_space<hbm>>) target(%arg7 : memref<40x125xi32, #tpu.memory_space<vmem>>) target_semaphore(%run_scoped3A : memref<!tpu.dma_semaphore, #tpu.memory_space<semaphore_mem>>)
      %dma_wait3A = arith.constant 0 : i32
      %dma_wait3A_33 = tpu.memref_slice %arg3[%mul3A_10, %dma_wait3A] : memref<1280x125xi32, #tpu.memory_space<hbm>> -> memref<40x125xi32, #tpu.memory_space<hbm>>
      %dma_wait3A_34 = arith.constant 0 : i32
      %dma_wait3A_35 = tpu.memref_slice %arg3[%mul3A_10, %dma_wait3A_34] : memref<1280x125xi32, #tpu.memory_space<hbm>> -> memref<40x125xi32, #tpu.memory_space<hbm>>
      tpu.wait_dma2 semaphore(%run_scoped3A : memref<!tpu.dma_semaphore, #tpu.memory_space<semaphore_mem>>) src(%dma_wait3A_35 : memref<40x125xi32, #tpu.memory_space<hbm>>) dst(%arg7 : memref<40x125xi32, #tpu.memory_space<vmem>>)
      tpu.yield
    }) : () -> ()
    %mul3A_11 = arith.constant 40 : i32
    %mul3A_12 = arith.muli %add3A, %mul3A_11 : i32
    "tpu.region"() ({
      %run_scoped3A = tpu.sem_alloc : memref<!tpu.dma_semaphore, #tpu.memory_space<semaphore_mem>>
      %dma_start3A_29 = arith.constant 0 : i32
      %dma_start3A_30 = tpu.memref_slice %arg4[%mul3A_12, %dma_start3A_29] : memref<1280x125xi32, #tpu.memory_space<hbm>> -> memref<40x125xi32, #tpu.memory_space<hbm>>
      %dma_start3A_31 = arith.constant 0 : i32
      %dma_start3A_32 = tpu.memref_slice %arg4[%mul3A_12, %dma_start3A_31] : memref<1280x125xi32, #tpu.memory_space<hbm>> -> memref<40x125xi32, #tpu.memory_space<hbm>>
      tpu.enqueue_dma source(%dma_start3A_32 : memref<40x125xi32, #tpu.memory_space<hbm>>) target(%arg8 : memref<40x125xi32, #tpu.memory_space<vmem>>) target_semaphore(%run_scoped3A : memref<!tpu.dma_semaphore, #tpu.memory_space<semaphore_mem>>)
      %dma_wait3A = arith.constant 0 : i32
      %dma_wait3A_33 = tpu.memref_slice %arg4[%mul3A_12, %dma_wait3A] : memref<1280x125xi32, #tpu.memory_space<hbm>> -> memref<40x125xi32, #tpu.memory_space<hbm>>
      %dma_wait3A_34 = arith.constant 0 : i32
      %dma_wait3A_35 = tpu.memref_slice %arg4[%mul3A_12, %dma_wait3A_34] : memref<1280x125xi32, #tpu.memory_space<hbm>> -> memref<40x125xi32, #tpu.memory_space<hbm>>
      tpu.wait_dma2 semaphore(%run_scoped3A : memref<!tpu.dma_semaphore, #tpu.memory_space<semaphore_mem>>) src(%dma_wait3A_35 : memref<40x125xi32, #tpu.memory_space<hbm>>) dst(%arg8 : memref<40x125xi32, #tpu.memory_space<vmem>>)
      tpu.yield
    }) : () -> ()
    %barrier3A = arith.constant 0 : index
    tpu.barrier barrier_id(%barrier3A)
    %dma_start3A = arith.constant 0 : i32
    %dma_start3A_13 = arith.constant 0 : i32
    %dma_start3A_14 = tpu.memref_slice %arg7[%dma_start3A, %dma_start3A_13] : memref<40x125xi32, #tpu.memory_space<vmem>> -> memref<1x125xi32, #tpu.memory_space<vmem>>
    %dma_start3A_15 = tpu.memref_squeeze %dma_start3A_14 : memref<1x125xi32, #tpu.memory_space<vmem>> -> memref<125xi32, #tpu.memory_space<vmem>>
    %dma_start3A_16 = arith.constant 0 : i32
    %dma_start3A_17 = arith.constant 0 : i32
    %dma_start3A_18 = tpu.memref_slice %arg11[%dma_start3A_16, %dma_start3A_17] : memref<10000x64xbf16, #tpu.memory_space<vmem_shared>> -> memref<10000x64xbf16, #tpu.memory_space<vmem_shared>>
    tpu.enqueue_indirect_dma source(%dma_start3A_18 : memref<10000x64xbf16, #tpu.memory_space<vmem_shared>>) target(%arg9 : memref<125x64xbf16, #tpu.memory_space<vmem>>) offsets(%dma_start3A_15 : memref<125xi32, #tpu.memory_space<vmem>>) semaphore(%arg13 : memref<!tpu.dma_semaphore, #tpu.memory_space<semaphore_mem>>)
    %scan3A = arith.constant 0 : i32
    %scan3A_19 = arith.constant 0 : i32
    %scan3A_20 = arith.constant 20 : i32
    %scan3A_21 = arith.addi %scan3A_19, %scan3A_20 : i32
    %scan3A_22 = arith.constant 1 : i32
    scf.for %scan3A_29 = %scan3A_19 to %scan3A_21 step %scan3A_22  : i32 {
      %mul3A_30 = arith.constant 2 : i32
      %mul3A_31 = arith.muli %scan3A_29, %mul3A_30 : i32
      %add3A_32 = arith.constant 0 : i32
      %add3A_33 = arith.addi %add3A_32, %mul3A_31 : i32
      %dma_wait3A = arith.constant 0 : i32
      %dma_wait3A_34 = tpu.memref_slice %arg7[%scan3A, %dma_wait3A] : memref<40x125xi32, #tpu.memory_space<vmem>> -> memref<1x125xi32, #tpu.memory_space<vmem>>
      %dma_wait3A_35 = tpu.memref_squeeze %dma_wait3A_34 : memref<1x125xi32, #tpu.memory_space<vmem>> -> memref<125xi32, #tpu.memory_space<vmem>>
      %dma_wait3A_36 = arith.constant 0 : i32
      %dma_wait3A_37 = arith.constant 0 : i32
      %dma_wait3A_38 = tpu.memref_slice %arg11[%dma_wait3A_36, %dma_wait3A_37] : memref<10000x64xbf16, #tpu.memory_space<vmem_shared>> -> memref<10000x64xbf16, #tpu.memory_space<vmem_shared>>
      tpu.wait_indirect_dma semaphore(%arg13 : memref<!tpu.dma_semaphore, #tpu.memory_space<semaphore_mem>>) src(%dma_wait3A_38 : memref<10000x64xbf16, #tpu.memory_space<vmem_shared>>) dst(%arg9 : memref<125x64xbf16, #tpu.memory_space<vmem>>)
      %dma_start3A_39 = arith.constant 0 : i32
      %dma_start3A_40 = tpu.memref_slice %arg8[%add3A_33, %dma_start3A_39] : memref<40x125xi32, #tpu.memory_space<vmem>> -> memref<1x125xi32, #tpu.memory_space<vmem>>
      %dma_start3A_41 = tpu.memref_squeeze %dma_start3A_40 : memref<1x125xi32, #tpu.memory_space<vmem>> -> memref<125xi32, #tpu.memory_space<vmem>>
      %dma_start3A_42 = arith.constant 0 : i32
      %dma_start3A_43 = arith.constant 0 : i32
      %dma_start3A_44 = tpu.memref_slice %arg12[%dma_start3A_42, %dma_start3A_43] : memref<10112x64xbf16, #tpu.memory_space<vmem_shared>> -> memref<10112x64xbf16, #tpu.memory_space<vmem_shared>>
      tpu.enqueue_indirect_dma source(%arg9 : memref<125x64xbf16, #tpu.memory_space<vmem>>) target(%dma_start3A_44 : memref<10112x64xbf16, #tpu.memory_space<vmem_shared>>) offsets(%dma_start3A_41 : memref<125xi32, #tpu.memory_space<vmem>>) semaphore(%arg15 : memref<!tpu.dma_semaphore, #tpu.memory_space<semaphore_mem>>) {add = true}
      %add3A_45 = arith.constant 1 : i32
      %add3A_46 = arith.addi %add3A_33, %add3A_45 : i32
      %dma_start3A_47 = arith.constant 0 : i32
      %dma_start3A_48 = tpu.memref_slice %arg7[%add3A_46, %dma_start3A_47] : memref<40x125xi32, #tpu.memory_space<vmem>> -> memref<1x125xi32, #tpu.memory_space<vmem>>
      %dma_start3A_49 = tpu.memref_squeeze %dma_start3A_48 : memref<1x125xi32, #tpu.memory_space<vmem>> -> memref<125xi32, #tpu.memory_space<vmem>>
      %dma_start3A_50 = arith.constant 0 : i32
      %dma_start3A_51 = arith.constant 0 : i32
      %dma_start3A_52 = tpu.memref_slice %arg11[%dma_start3A_50, %dma_start3A_51] : memref<10000x64xbf16, #tpu.memory_space<vmem_shared>> -> memref<10000x64xbf16, #tpu.memory_space<vmem_shared>>
      tpu.enqueue_indirect_dma source(%dma_start3A_52 : memref<10000x64xbf16, #tpu.memory_space<vmem_shared>>) target(%arg10 : memref<125x64xbf16, #tpu.memory_space<vmem>>) offsets(%dma_start3A_49 : memref<125xi32, #tpu.memory_space<vmem>>) semaphore(%arg14 : memref<!tpu.dma_semaphore, #tpu.memory_space<semaphore_mem>>)
      %dma_wait3A_53 = arith.constant 0 : i32
      %dma_wait3A_54 = tpu.memref_slice %arg8[%add3A_33, %dma_wait3A_53] : memref<40x125xi32, #tpu.memory_space<vmem>> -> memref<1x125xi32, #tpu.memory_space<vmem>>
      %dma_wait3A_55 = tpu.memref_squeeze %dma_wait3A_54 : memref<1x125xi32, #tpu.memory_space<vmem>> -> memref<125xi32, #tpu.memory_space<vmem>>
      %dma_wait3A_56 = arith.constant 0 : i32
      %dma_wait3A_57 = arith.constant 0 : i32
      %dma_wait3A_58 = tpu.memref_slice %arg12[%dma_wait3A_56, %dma_wait3A_57] : memref<10112x64xbf16, #tpu.memory_space<vmem_shared>> -> memref<10112x64xbf16, #tpu.memory_space<vmem_shared>>
      tpu.wait_indirect_dma semaphore(%arg15 : memref<!tpu.dma_semaphore, #tpu.memory_space<semaphore_mem>>) src(%arg9 : memref<125x64xbf16, #tpu.memory_space<vmem>>) dst(%dma_wait3A_58 : memref<10112x64xbf16, #tpu.memory_space<vmem_shared>>)
      %dma_wait3A_59 = arith.constant 0 : i32
      %dma_wait3A_60 = tpu.memref_slice %arg7[%add3A_46, %dma_wait3A_59] : memref<40x125xi32, #tpu.memory_space<vmem>> -> memref<1x125xi32, #tpu.memory_space<vmem>>
      %dma_wait3A_61 = tpu.memref_squeeze %dma_wait3A_60 : memref<1x125xi32, #tpu.memory_space<vmem>> -> memref<125xi32, #tpu.memory_space<vmem>>
      %dma_wait3A_62 = arith.constant 0 : i32
      %dma_wait3A_63 = arith.constant 0 : i32
      %dma_wait3A_64 = tpu.memref_slice %arg11[%dma_wait3A_62, %dma_wait3A_63] : memref<10000x64xbf16, #tpu.memory_space<vmem_shared>> -> memref<10000x64xbf16, #tpu.memory_space<vmem_shared>>
      tpu.wait_indirect_dma semaphore(%arg14 : memref<!tpu.dma_semaphore, #tpu.memory_space<semaphore_mem>>) src(%dma_wait3A_64 : memref<10000x64xbf16, #tpu.memory_space<vmem_shared>>) dst(%arg10 : memref<125x64xbf16, #tpu.memory_space<vmem>>)
      %add3A_65 = arith.constant 1 : i32
      %add3A_66 = arith.addi %add3A_33, %add3A_65 : i32
      %dma_start3A_67 = arith.constant 0 : i32
      %dma_start3A_68 = tpu.memref_slice %arg8[%add3A_66, %dma_start3A_67] : memref<40x125xi32, #tpu.memory_space<vmem>> -> memref<1x125xi32, #tpu.memory_space<vmem>>
      %dma_start3A_69 = tpu.memref_squeeze %dma_start3A_68 : memref<1x125xi32, #tpu.memory_space<vmem>> -> memref<125xi32, #tpu.memory_space<vmem>>
      %dma_start3A_70 = arith.constant 0 : i32
      %dma_start3A_71 = arith.constant 0 : i32
      %dma_start3A_72 = tpu.memref_slice %arg12[%dma_start3A_70, %dma_start3A_71] : memref<10112x64xbf16, #tpu.memory_space<vmem_shared>> -> memref<10112x64xbf16, #tpu.memory_space<vmem_shared>>
      tpu.enqueue_indirect_dma source(%arg10 : memref<125x64xbf16, #tpu.memory_space<vmem>>) target(%dma_start3A_72 : memref<10112x64xbf16, #tpu.memory_space<vmem_shared>>) offsets(%dma_start3A_69 : memref<125xi32, #tpu.memory_space<vmem>>) semaphore(%arg16 : memref<!tpu.dma_semaphore, #tpu.memory_space<semaphore_mem>>) {add = true}
      %add3A_73 = arith.constant 2 : i32
      %add3A_74 = arith.addi %add3A_33, %add3A_73 : i32
      %lt3A = arith.constant 40 : i32
      %lt3A_75 = arith.cmpi slt, %add3A_74, %lt3A : i32
      %convert_element_type3A = arith.extui %lt3A_75 : i1 to i32
      %cond3A = arith.constant 0 : i32
      %cond3A_76 = arith.cmpi ne, %convert_element_type3A, %cond3A : i32
      scf.if %cond3A_76 {
        %add3A_83 = arith.constant 2 : i32
        %add3A_84 = arith.addi %add3A_33, %add3A_83 : i32
        %dma_start3A_85 = arith.constant 0 : i32
        %dma_start3A_86 = tpu.memref_slice %arg7[%add3A_84, %dma_start3A_85] : memref<40x125xi32, #tpu.memory_space<vmem>> -> memref<1x125xi32, #tpu.memory_space<vmem>>
        %dma_start3A_87 = tpu.memref_squeeze %dma_start3A_86 : memref<1x125xi32, #tpu.memory_space<vmem>> -> memref<125xi32, #tpu.memory_space<vmem>>
        %dma_start3A_88 = arith.constant 0 : i32
        %dma_start3A_89 = arith.constant 0 : i32
        %dma_start3A_90 = tpu.memref_slice %arg11[%dma_start3A_88, %dma_start3A_89] : memref<10000x64xbf16, #tpu.memory_space<vmem_shared>> -> memref<10000x64xbf16, #tpu.memory_space<vmem_shared>>
        tpu.enqueue_indirect_dma source(%dma_start3A_90 : memref<10000x64xbf16, #tpu.memory_space<vmem_shared>>) target(%arg9 : memref<125x64xbf16, #tpu.memory_space<vmem>>) offsets(%dma_start3A_87 : memref<125xi32, #tpu.memory_space<vmem>>) semaphore(%arg13 : memref<!tpu.dma_semaphore, #tpu.memory_space<semaphore_mem>>)
      } else {
      }
      %dma_wait3A_77 = arith.constant 0 : i32
      %dma_wait3A_78 = tpu.memref_slice %arg8[%add3A_66, %dma_wait3A_77] : memref<40x125xi32, #tpu.memory_space<vmem>> -> memref<1x125xi32, #tpu.memory_space<vmem>>
      %dma_wait3A_79 = tpu.memref_squeeze %dma_wait3A_78 : memref<1x125xi32, #tpu.memory_space<vmem>> -> memref<125xi32, #tpu.memory_space<vmem>>
      %dma_wait3A_80 = arith.constant 0 : i32
      %dma_wait3A_81 = arith.constant 0 : i32
      %dma_wait3A_82 = tpu.memref_slice %arg12[%dma_wait3A_80, %dma_wait3A_81] : memref<10112x64xbf16, #tpu.memory_space<vmem_shared>> -> memref<10112x64xbf16, #tpu.memory_space<vmem_shared>>
      tpu.wait_indirect_dma semaphore(%arg16 : memref<!tpu.dma_semaphore, #tpu.memory_space<semaphore_mem>>) src(%arg10 : memref<125x64xbf16, #tpu.memory_space<vmem>>) dst(%dma_wait3A_82 : memref<10112x64xbf16, #tpu.memory_space<vmem_shared>>)
    }
    %scan3A_23 = arith.constant 20 : i32
    %barrier3A_24 = arith.constant 0 : index
    tpu.barrier barrier_id(%barrier3A_24)
    %mul3A_25 = arith.constant 632 : i32
    %mul3A_26 = arith.muli %arg1, %mul3A_25 : i32
    %mul3A_27 = arith.constant 632 : i32
    %mul3A_28 = arith.muli %arg1, %mul3A_27 : i32
    "tpu.region"() ({
      %run_scoped3A = tpu.sem_alloc : memref<!tpu.dma_semaphore, #tpu.memory_space<semaphore_mem>>
      %dma_start3A_29 = arith.constant 0 : i32
      %dma_start3A_30 = tpu.memref_slice %arg6[%arg0, %mul3A_28, %dma_start3A_29] : memref<2x10112x64xbf16, #tpu.memory_space<hbm>> -> memref<1x632x64xbf16, #tpu.memory_space<hbm>>
      %dma_start3A_31 = tpu.memref_squeeze %dma_start3A_30 : memref<1x632x64xbf16, #tpu.memory_space<hbm>> -> memref<632x64xbf16, #tpu.memory_space<hbm>>
      %dma_start3A_32 = arith.constant 0 : i32
      %dma_start3A_33 = tpu.memref_slice %arg12[%mul3A_26, %dma_start3A_32] : memref<10112x64xbf16, #tpu.memory_space<vmem_shared>> -> memref<632x64xbf16, #tpu.memory_space<vmem_shared>>
      tpu.enqueue_dma source(%dma_start3A_33 : memref<632x64xbf16, #tpu.memory_space<vmem_shared>>) target(%dma_start3A_31 : memref<632x64xbf16, #tpu.memory_space<hbm>>) target_semaphore(%run_scoped3A : memref<!tpu.dma_semaphore, #tpu.memory_space<semaphore_mem>>)
      %dma_wait3A = arith.constant 0 : i32
      %dma_wait3A_34 = tpu.memref_slice %arg6[%arg0, %mul3A_28, %dma_wait3A] : memref<2x10112x64xbf16, #tpu.memory_space<hbm>> -> memref<1x632x64xbf16, #tpu.memory_space<hbm>>
      %dma_wait3A_35 = tpu.memref_squeeze %dma_wait3A_34 : memref<1x632x64xbf16, #tpu.memory_space<hbm>> -> memref<632x64xbf16, #tpu.memory_space<hbm>>
      %dma_wait3A_36 = arith.constant 0 : i32
      %dma_wait3A_37 = tpu.memref_slice %arg12[%mul3A_26, %dma_wait3A_36] : memref<10112x64xbf16, #tpu.memory_space<vmem_shared>> -> memref<632x64xbf16, #tpu.memory_space<vmem_shared>>
      tpu.wait_dma2 semaphore(%run_scoped3A : memref<!tpu.dma_semaphore, #tpu.memory_space<semaphore_mem>>) src(%dma_wait3A_37 : memref<632x64xbf16, #tpu.memory_space<vmem_shared>>) dst(%dma_wait3A_35 : memref<632x64xbf16, #tpu.memory_space<hbm>>)
      tpu.yield
    }) : () -> ()
    return
  }
}

module attributes {stable_mosaic.version = 14 : i64} {
  func.func @_p_body(%arg0: i32, %arg1: memref<2000x256xf32, #tpu.memory_space<vmem>>, %arg2: memref<256x128xf32, #tpu.memory_space<vmem>>, %arg3: memref<2000x160xbf16, #tpu.memory_space<vmem>>) attributes {dimension_semantics = [#tpu.dimension_semantics<arbitrary>], iteration_bounds = array<i64: 5>, scalar_prefetch = 0 : i64, scratch_operands = 0 : i64, tpu.core_type = #tpu.core_type<tc>, window_params = [{transform_indices = @transform_0, window_bounds = array<i64: 2000, 256>}, {pipeline_mode = #tpu.pipeline_mode<synchronous>, transform_indices = @transform_1, window_bounds = array<i64: 256, 128>}, {transform_indices = @transform_2, window_bounds = array<i64: 2000, 160>}]} {
    %get3A = arith.constant 0 : index
    %get3A_0 = arith.constant 0 : index
    %get3A_1 = vector.load %arg1[%get3A, %get3A_0] : memref<2000x256xf32, #tpu.memory_space<vmem>>, vector<2000x256xf32>
    %get3A_2 = arith.constant 0 : index
    %get3A_3 = arith.constant 0 : index
    %get3A_4 = vector.load %arg2[%get3A_2, %get3A_3] : memref<256x128xf32, #tpu.memory_space<vmem>>, vector<256x128xf32>
    %dot_general3A = arith.constant dense<0.000000e+00> : vector<2000x128xf32>
    %dot_general3A_5 = tpu.matmul %get3A_1, %get3A_4, %dot_general3A {dimension_numbers = #tpu.dot_dimension_numbers<[1], [0], [0], [1], [0, 0, 1, 1], [], []>, transpose_lhs_hint = false} : vector<2000x256xf32>, vector<256x128xf32>, vector<2000x128xf32> -> vector<2000x128xf32>
    %broadcast_in_dim3A = arith.constant 1.000000e+00 : f32
    %broadcast_in_dim3A_6 = vector.broadcast %broadcast_in_dim3A : f32 to vector<2000x32xf32>
    %concatenate3A = tpu.concatenate %dot_general3A_5, %broadcast_in_dim3A_6 in 1 : vector<2000x128xf32>, vector<2000x32xf32> -> vector<2000x160xf32>
    %convert_element_type3A = arith.truncf %concatenate3A : vector<2000x160xf32> to vector<2000x160xbf16>
    %swap3A = arith.constant 0 : index
    %swap3A_7 = arith.constant 0 : index
    %swap3A_8 = vector.load %arg3[%swap3A, %swap3A_7] : memref<2000x160xbf16, #tpu.memory_space<vmem>>, vector<2000x160xbf16>
    tpu.vector_store %arg3[%swap3A, %swap3A_7], %convert_element_type3A {strides = array<i32>} : memref<2000x160xbf16, #tpu.memory_space<vmem>>, vector<2000x160xbf16>,
    return
  }
  func.func @transform_0(%arg0: i32) -> (i32, i32) {
    %c0_i32 = arith.constant 0 : i32
    %c0_i32_0 = arith.constant 0 : i32
    return %arg0, %c0_i32 : i32, i32
  }
  func.func @transform_1(%arg0: i32) -> (i32, i32) {
    %c0_i32 = arith.constant 0 : i32
    %c0_i32_0 = arith.constant 0 : i32
    %c0_i32_1 = arith.constant 0 : i32
    return %c0_i32, %c0_i32_0 : i32, i32
  }
  func.func @transform_2(%arg0: i32) -> (i32, i32) {
    %c0_i32 = arith.constant 0 : i32
    %c0_i32_0 = arith.constant 0 : i32
    return %arg0, %c0_i32 : i32, i32
  }
}

module attributes {stable_mosaic.version = 14 : i64} {
  func.func @_base_body(%arg0: i32, %arg1: memref<2000x256xf32, #tpu.memory_space<vmem>>, %arg2: memref<256x128xf32, #tpu.memory_space<vmem>>, %arg3: memref<1x128xf32, #tpu.memory_space<vmem>>, %arg4: memref<2000x128xf32, #tpu.memory_space<vmem>>) attributes {dimension_semantics = [#tpu.dimension_semantics<arbitrary>], iteration_bounds = array<i64: 5>, scalar_prefetch = 0 : i64, scratch_operands = 0 : i64, tpu.core_type = #tpu.core_type<tc>, window_params = [{transform_indices = @transform_0, window_bounds = array<i64: 2000, 256>}, {pipeline_mode = #tpu.pipeline_mode<synchronous>, transform_indices = @transform_1, window_bounds = array<i64: 256, 128>}, {pipeline_mode = #tpu.pipeline_mode<synchronous>, transform_indices = @transform_2, window_bounds = array<i64: 1, 128>}, {transform_indices = @transform_3, window_bounds = array<i64: 2000, 128>}]} {
    %get3A = arith.constant 0 : index
    %get3A_0 = arith.constant 0 : index
    %get3A_1 = vector.load %arg1[%get3A, %get3A_0] : memref<2000x256xf32, #tpu.memory_space<vmem>>, vector<2000x256xf32>
    %get3A_2 = arith.constant 0 : index
    %get3A_3 = arith.constant 0 : index
    %get3A_4 = vector.load %arg2[%get3A_2, %get3A_3] : memref<256x128xf32, #tpu.memory_space<vmem>>, vector<256x128xf32>
    %dot_general3A = arith.constant dense<0.000000e+00> : vector<2000x128xf32>
    %dot_general3A_5 = tpu.matmul %get3A_1, %get3A_4, %dot_general3A {dimension_numbers = #tpu.dot_dimension_numbers<[1], [0], [0], [1], [0, 0, 1, 1], [], []>, precision = #tpu.contract_precision<fp32>, transpose_lhs_hint = false} : vector<2000x256xf32>, vector<256x128xf32>, vector<2000x128xf32> -> vector<2000x128xf32>
    %get3A_6 = arith.constant 0 : index
    %get3A_7 = arith.constant 0 : index
    %get3A_8 = vector.load %arg3[%get3A_6, %get3A_7] : memref<1x128xf32, #tpu.memory_space<vmem>>, vector<1x128xf32>
    %add3A = vector.broadcast %get3A_8 : vector<1x128xf32> to vector<2000x128xf32>
    %add3A_9 = arith.addf %dot_general3A_5, %add3A : vector<2000x128xf32>
    %swap3A = arith.constant 0 : index
    %swap3A_10 = arith.constant 0 : index
    %swap3A_11 = vector.load %arg4[%swap3A, %swap3A_10] : memref<2000x128xf32, #tpu.memory_space<vmem>>, vector<2000x128xf32>
    tpu.vector_store %arg4[%swap3A, %swap3A_10], %add3A_9 {strides = array<i32>} : memref<2000x128xf32, #tpu.memory_space<vmem>>, vector<2000x128xf32>,
    return
  }
  func.func @transform_0(%arg0: i32) -> (i32, i32) {
    %c0_i32 = arith.constant 0 : i32
    %c0_i32_0 = arith.constant 0 : i32
    return %arg0, %c0_i32 : i32, i32
  }
  func.func @transform_1(%arg0: i32) -> (i32, i32) {
    %c0_i32 = arith.constant 0 : i32
    %c0_i32_0 = arith.constant 0 : i32
    %c0_i32_1 = arith.constant 0 : i32
    return %c0_i32, %c0_i32_0 : i32, i32
  }
  func.func @transform_2(%arg0: i32) -> (i32, i32) {
    %c0_i32 = arith.constant 0 : i32
    %c0_i32_0 = arith.constant 0 : i32
    %c0_i32_1 = arith.constant 0 : i32
    return %c0_i32, %c0_i32_0 : i32, i32
  }
  func.func @transform_3(%arg0: i32) -> (i32, i32) {
    %c0_i32 = arith.constant 0 : i32
    %c0_i32_0 = arith.constant 0 : i32
    return %arg0, %c0_i32 : i32, i32
  }
}

module attributes {stable_mosaic.version = 14 : i64} {
  func.func @_mid_body(%arg0: i32, %arg1: memref<2x10000x160xbf16, #tpu.memory_space<vmem>>, %arg2: memref<10000x128xf32, #tpu.memory_space<vmem>>, %arg3: memref<1x128xf32, #tpu.memory_space<vmem>>, %arg4: memref<1x128xf32, #tpu.memory_space<vmem>>, %arg5: memref<128x64xf32, #tpu.memory_space<vmem>>, %arg6: memref<10000x64xbf16, #tpu.memory_space<vmem>>, %arg7: memref<10000x128xf32, #tpu.memory_space<vmem>>, %arg8: memref<10000x1xf32, #tpu.memory_space<vmem>>) attributes {dimension_semantics = [#tpu.dimension_semantics<arbitrary>], iteration_bounds = array<i64: 1>, scalar_prefetch = 0 : i64, scratch_operands = 0 : i64, tpu.core_type = #tpu.core_type<tc>, window_params = [{transform_indices = @transform_0, window_bounds = array<i64: 2, 10000, 160>}, {pipeline_mode = #tpu.pipeline_mode<synchronous>, transform_indices = @transform_1, window_bounds = array<i64: 10000, 128>}, {pipeline_mode = #tpu.pipeline_mode<synchronous>, transform_indices = @transform_2, window_bounds = array<i64: 1, 128>}, {pipeline_mode = #tpu.pipeline_mode<synchronous>, transform_indices = @transform_3, window_bounds = array<i64: 1, 128>}, {pipeline_mode = #tpu.pipeline_mode<synchronous>, transform_indices = @transform_4, window_bounds = array<i64: 128, 64>}, {pipeline_mode = #tpu.pipeline_mode<synchronous>, transform_indices = @transform_5, window_bounds = array<i64: 10000, 64>}, {pipeline_mode = #tpu.pipeline_mode<synchronous>, transform_indices = @transform_6, window_bounds = array<i64: 10000, 128>}, {pipeline_mode = #tpu.pipeline_mode<synchronous>, transform_indices = @transform_7, window_bounds = array<i64: 10000, 1>}]} {
    %get3A = arith.constant 0 : index
    %get3A_0 = arith.constant 0 : index
    %get3A_1 = arith.constant 0 : index
    %get3A_2 = vector.load %arg1[%get3A, %get3A_0, %get3A_1] : memref<2x10000x160xbf16, #tpu.memory_space<vmem>>, vector<1x10000x128xbf16>
    %get3A_3 = vector.shape_cast %get3A_2 : vector<1x10000x128xbf16> to vector<10000x128xbf16>
    %convert_element_type3A = arith.extf %get3A_3 : vector<10000x128xbf16> to vector<10000x128xf32>
    %get3A_4 = arith.constant 1 : index
    %get3A_5 = arith.constant 0 : index
    %get3A_6 = arith.constant 0 : index
    %get3A_7 = vector.load %arg1[%get3A_4, %get3A_5, %get3A_6] : memref<2x10000x160xbf16, #tpu.memory_space<vmem>>, vector<1x10000x128xbf16>
    %get3A_8 = vector.shape_cast %get3A_7 : vector<1x10000x128xbf16> to vector<10000x128xbf16>
    %convert_element_type3A_9 = arith.extf %get3A_8 : vector<10000x128xbf16> to vector<10000x128xf32>
    %add3A = arith.addf %convert_element_type3A, %convert_element_type3A_9 : vector<10000x128xf32>
    %get3A_10 = arith.constant 0 : index
    %get3A_11 = arith.constant 0 : index
    %get3A_12 = arith.constant 128 : index
    %get3A_13 = vector.load %arg1[%get3A_10, %get3A_11, %get3A_12] : memref<2x10000x160xbf16, #tpu.memory_space<vmem>>, vector<1x10000x1xbf16>
    %get3A_14 = vector.shape_cast %get3A_13 : vector<1x10000x1xbf16> to vector<10000x1xbf16>
    %convert_element_type3A_15 = arith.extf %get3A_14 : vector<10000x1xbf16> to vector<10000x1xf32>
    %get3A_16 = arith.constant 1 : index
    %get3A_17 = arith.constant 0 : index
    %get3A_18 = arith.constant 128 : index
    %get3A_19 = vector.load %arg1[%get3A_16, %get3A_17, %get3A_18] : memref<2x10000x160xbf16, #tpu.memory_space<vmem>>, vector<1x10000x1xbf16>
    %get3A_20 = vector.shape_cast %get3A_19 : vector<1x10000x1xbf16> to vector<10000x1xbf16>
    %convert_element_type3A_21 = arith.extf %get3A_20 : vector<10000x1xbf16> to vector<10000x1xf32>
    %add3A_22 = arith.addf %convert_element_type3A_15, %convert_element_type3A_21 : vector<10000x1xf32>
    %max3A = arith.constant 1.000000e+00 : f32
    %max3A_23 = vector.broadcast %max3A : f32 to vector<10000x1xf32>
    %max3A_24 = arith.maximumf %add3A_22, %max3A_23 : vector<10000x1xf32>
    %div3A = vector.broadcast %max3A_24 : vector<10000x1xf32> to vector<10000x128xf32>
    %div3A_25 = arith.divf %add3A, %div3A : vector<10000x128xf32>
    %get3A_26 = arith.constant 0 : index
    %get3A_27 = arith.constant 0 : index
    %get3A_28 = vector.load %arg2[%get3A_26, %get3A_27] : memref<10000x128xf32, #tpu.memory_space<vmem>>, vector<10000x128xf32>
    %add3A_29 = arith.addf %div3A_25, %get3A_28 : vector<10000x128xf32>
    %reduce_sum3A = arith.constant dense<0.000000e+00> : vector<128xf32>
    %reduce_sum3A_30 = vector.multi_reduction <add>, %add3A_29, %reduce_sum3A [0] : vector<10000x128xf32> to vector<128xf32>
    %broadcast_in_dim3A = vector.shape_cast %reduce_sum3A_30 : vector<128xf32> to vector<1x128xf32>
    %div3A_31 = arith.constant 1.000000e+04 : f32
    %div3A_32 = vector.broadcast %div3A_31 : f32 to vector<1x128xf32>
    %div3A_33 = arith.divf %broadcast_in_dim3A, %div3A_32 : vector<1x128xf32>
    %sub3A = vector.broadcast %div3A_33 : vector<1x128xf32> to vector<10000x128xf32>
    %sub3A_34 = arith.subf %add3A_29, %sub3A : vector<10000x128xf32>
    %integer_pow3A = arith.mulf %sub3A_34, %sub3A_34 : vector<10000x128xf32>
    %reduce_sum3A_35 = arith.constant dense<0.000000e+00> : vector<128xf32>
    %reduce_sum3A_36 = vector.multi_reduction <add>, %integer_pow3A, %reduce_sum3A_35 [0] : vector<10000x128xf32> to vector<128xf32>
    %broadcast_in_dim3A_37 = vector.shape_cast %reduce_sum3A_36 : vector<128xf32> to vector<1x128xf32>
    %div3A_38 = arith.constant 1.000000e+04 : f32
    %div3A_39 = vector.broadcast %div3A_38 : f32 to vector<1x128xf32>
    %div3A_40 = arith.divf %broadcast_in_dim3A_37, %div3A_39 : vector<1x128xf32>
    %sub3A_41 = vector.broadcast %div3A_33 : vector<1x128xf32> to vector<10000x128xf32>
    %sub3A_42 = arith.subf %add3A_29, %sub3A_41 : vector<10000x128xf32>
    %add3A_43 = arith.constant 9.99999974E-6 : f32
    %add3A_44 = vector.broadcast %add3A_43 : f32 to vector<1x128xf32>
    %add3A_45 = arith.addf %div3A_40, %add3A_44 : vector<1x128xf32>
    %sqrt3A = math.sqrt %add3A_45 : vector<1x128xf32>
    %div3A_46 = vector.broadcast %sqrt3A : vector<1x128xf32> to vector<10000x128xf32>
    %div3A_47 = arith.divf %sub3A_42, %div3A_46 : vector<10000x128xf32>
    %get3A_48 = arith.constant 0 : index
    %get3A_49 = arith.constant 0 : index
    %get3A_50 = vector.load %arg3[%get3A_48, %get3A_49] : memref<1x128xf32, #tpu.memory_space<vmem>>, vector<1x128xf32>
    %mul3A = vector.broadcast %get3A_50 : vector<1x128xf32> to vector<10000x128xf32>
    %mul3A_51 = arith.mulf %div3A_47, %mul3A : vector<10000x128xf32>
    %get3A_52 = arith.constant 0 : index
    %get3A_53 = arith.constant 0 : index
    %get3A_54 = vector.load %arg4[%get3A_52, %get3A_53] : memref<1x128xf32, #tpu.memory_space<vmem>>, vector<1x128xf32>
    %add3A_55 = vector.broadcast %get3A_54 : vector<1x128xf32> to vector<10000x128xf32>
    %add3A_56 = arith.addf %mul3A_51, %add3A_55 : vector<10000x128xf32>
    %max3A_57 = arith.constant 0.000000e+00 : f32
    %max3A_58 = vector.broadcast %max3A_57 : f32 to vector<10000x128xf32>
    %max3A_59 = arith.maximumf %add3A_56, %max3A_58 : vector<10000x128xf32>
    %get3A_60 = arith.constant 0 : index
    %get3A_61 = arith.constant 0 : index
    %get3A_62 = vector.load %arg5[%get3A_60, %get3A_61] : memref<128x64xf32, #tpu.memory_space<vmem>>, vector<128x64xf32>
    %dot_general3A = arith.constant dense<0.000000e+00> : vector<10000x64xf32>
    %dot_general3A_63 = tpu.matmul %max3A_59, %get3A_62, %dot_general3A {dimension_numbers = #tpu.dot_dimension_numbers<[1], [0], [0], [1], [0, 0, 1, 1], [], []>, transpose_lhs_hint = false} : vector<10000x128xf32>, vector<128x64xf32>, vector<10000x64xf32> -> vector<10000x64xf32>
    %convert_element_type3A_64 = arith.truncf %dot_general3A_63 : vector<10000x64xf32> to vector<10000x64xbf16>
    %swap3A = arith.constant 0 : index
    %swap3A_65 = arith.constant 0 : index
    %swap3A_66 = vector.load %arg6[%swap3A, %swap3A_65] : memref<10000x64xbf16, #tpu.memory_space<vmem>>, vector<10000x64xbf16>
    tpu.vector_store %arg6[%swap3A, %swap3A_65], %convert_element_type3A_64 {strides = array<i32>} : memref<10000x64xbf16, #tpu.memory_space<vmem>>, vector<10000x64xbf16>,
    %swap3A_67 = arith.constant 0 : index
    %swap3A_68 = arith.constant 0 : index
    %swap3A_69 = vector.load %arg7[%swap3A_67, %swap3A_68] : memref<10000x128xf32, #tpu.memory_space<vmem>>, vector<10000x128xf32>
    tpu.vector_store %arg7[%swap3A_67, %swap3A_68], %max3A_59 {strides = array<i32>} : memref<10000x128xf32, #tpu.memory_space<vmem>>, vector<10000x128xf32>,
    %swap3A_70 = arith.constant 0 : index
    %swap3A_71 = arith.constant 0 : index
    %swap3A_72 = vector.load %arg8[%swap3A_70, %swap3A_71] : memref<10000x1xf32, #tpu.memory_space<vmem>>, vector<10000x1xf32>
    tpu.vector_store %arg8[%swap3A_70, %swap3A_71], %max3A_24 {strides = array<i32>} : memref<10000x1xf32, #tpu.memory_space<vmem>>, vector<10000x1xf32>,
    return
  }
  func.func @transform_0(%arg0: i32) -> (i32, i32, i32) {
    %c0_i32 = arith.constant 0 : i32
    %c0_i32_0 = arith.constant 0 : i32
    %c0_i32_1 = arith.constant 0 : i32
    %c0_i32_2 = arith.constant 0 : i32
    return %c0_i32, %c0_i32_0, %c0_i32_1 : i32, i32, i32
  }
  func.func @transform_1(%arg0: i32) -> (i32, i32) {
    %c0_i32 = arith.constant 0 : i32
    %c0_i32_0 = arith.constant 0 : i32
    %c0_i32_1 = arith.constant 0 : i32
    return %c0_i32, %c0_i32_0 : i32, i32
  }
  func.func @transform_2(%arg0: i32) -> (i32, i32) {
    %c0_i32 = arith.constant 0 : i32
    %c0_i32_0 = arith.constant 0 : i32
    %c0_i32_1 = arith.constant 0 : i32
    return %c0_i32, %c0_i32_0 : i32, i32
  }
  func.func @transform_3(%arg0: i32) -> (i32, i32) {
    %c0_i32 = arith.constant 0 : i32
    %c0_i32_0 = arith.constant 0 : i32
    %c0_i32_1 = arith.constant 0 : i32
    return %c0_i32, %c0_i32_0 : i32, i32
  }
  func.func @transform_4(%arg0: i32) -> (i32, i32) {
    %c0_i32 = arith.constant 0 : i32
    %c0_i32_0 = arith.constant 0 : i32
    %c0_i32_1 = arith.constant 0 : i32
    return %c0_i32, %c0_i32_0 : i32, i32
  }
  func.func @transform_5(%arg0: i32) -> (i32, i32) {
    %c0_i32 = arith.constant 0 : i32
    %c0_i32_0 = arith.constant 0 : i32
    %c0_i32_1 = arith.constant 0 : i32
    return %c0_i32, %c0_i32_0 : i32, i32
  }
  func.func @transform_6(%arg0: i32) -> (i32, i32) {
    %c0_i32 = arith.constant 0 : i32
    %c0_i32_0 = arith.constant 0 : i32
    %c0_i32_1 = arith.constant 0 : i32
    return %c0_i32, %c0_i32_0 : i32, i32
  }
  func.func @transform_7(%arg0: i32) -> (i32, i32) {
    %c0_i32 = arith.constant 0 : i32
    %c0_i32_0 = arith.constant 0 : i32
    %c0_i32_1 = arith.constant 0 : i32
    return %c0_i32, %c0_i32_0 : i32, i32
  }
}

module attributes {stable_mosaic.version = 14 : i64} {
  func.func @_s_body(%arg0: i32, %arg1: memref<2000x128xf32, #tpu.memory_space<vmem>>, %arg2: memref<128x64xf32, #tpu.memory_space<vmem>>, %arg3: memref<1x64xf32, #tpu.memory_space<vmem>>, %arg4: memref<2000x64xf32, #tpu.memory_space<vmem>>) attributes {dimension_semantics = [#tpu.dimension_semantics<arbitrary>], iteration_bounds = array<i64: 5>, scalar_prefetch = 0 : i64, scratch_operands = 0 : i64, tpu.core_type = #tpu.core_type<tc>, window_params = [{transform_indices = @transform_0, window_bounds = array<i64: 2000, 128>}, {pipeline_mode = #tpu.pipeline_mode<synchronous>, transform_indices = @transform_1, window_bounds = array<i64: 128, 64>}, {pipeline_mode = #tpu.pipeline_mode<synchronous>, transform_indices = @transform_2, window_bounds = array<i64: 1, 64>}, {transform_indices = @transform_3, window_bounds = array<i64: 2000, 64>}]} {
    %get3A = arith.constant 0 : index
    %get3A_0 = arith.constant 0 : index
    %get3A_1 = vector.load %arg1[%get3A, %get3A_0] : memref<2000x128xf32, #tpu.memory_space<vmem>>, vector<2000x128xf32>
    %get3A_2 = arith.constant 0 : index
    %get3A_3 = arith.constant 0 : index
    %get3A_4 = vector.load %arg2[%get3A_2, %get3A_3] : memref<128x64xf32, #tpu.memory_space<vmem>>, vector<128x64xf32>
    %dot_general3A = arith.constant dense<0.000000e+00> : vector<2000x64xf32>
    %dot_general3A_5 = tpu.matmul %get3A_1, %get3A_4, %dot_general3A {dimension_numbers = #tpu.dot_dimension_numbers<[1], [0], [0], [1], [0, 0, 1, 1], [], []>, precision = #tpu.contract_precision<fp32>, transpose_lhs_hint = false} : vector<2000x128xf32>, vector<128x64xf32>, vector<2000x64xf32> -> vector<2000x64xf32>
    %get3A_6 = arith.constant 0 : index
    %get3A_7 = arith.constant 0 : index
    %get3A_8 = vector.load %arg3[%get3A_6, %get3A_7] : memref<1x64xf32, #tpu.memory_space<vmem>>, vector<1x64xf32>
    %add3A = vector.broadcast %get3A_8 : vector<1x64xf32> to vector<2000x64xf32>
    %add3A_9 = arith.addf %dot_general3A_5, %add3A : vector<2000x64xf32>
    %swap3A = arith.constant 0 : index
    %swap3A_10 = arith.constant 0 : index
    %swap3A_11 = vector.load %arg4[%swap3A, %swap3A_10] : memref<2000x64xf32, #tpu.memory_space<vmem>>, vector<2000x64xf32>
    tpu.vector_store %arg4[%swap3A, %swap3A_10], %add3A_9 {strides = array<i32>} : memref<2000x64xf32, #tpu.memory_space<vmem>>, vector<2000x64xf32>,
    return
  }
  func.func @transform_0(%arg0: i32) -> (i32, i32) {
    %c0_i32 = arith.constant 0 : i32
    %c0_i32_0 = arith.constant 0 : i32
    return %arg0, %c0_i32 : i32, i32
  }
  func.func @transform_1(%arg0: i32) -> (i32, i32) {
    %c0_i32 = arith.constant 0 : i32
    %c0_i32_0 = arith.constant 0 : i32
    %c0_i32_1 = arith.constant 0 : i32
    return %c0_i32, %c0_i32_0 : i32, i32
  }
  func.func @transform_2(%arg0: i32) -> (i32, i32) {
    %c0_i32 = arith.constant 0 : i32
    %c0_i32_0 = arith.constant 0 : i32
    %c0_i32_1 = arith.constant 0 : i32
    return %c0_i32, %c0_i32_0 : i32, i32
  }
  func.func @transform_3(%arg0: i32) -> (i32, i32) {
    %c0_i32 = arith.constant 0 : i32
    %c0_i32_0 = arith.constant 0 : i32
    return %arg0, %c0_i32 : i32, i32
  }
}

module attributes {stable_mosaic.version = 14 : i64} {
  func.func @_out_body(%arg0: i32, %arg1: memref<2x2000x64xbf16, #tpu.memory_space<vmem>>, %arg2: memref<2000x64xf32, #tpu.memory_space<vmem>>, %arg3: memref<2000x1xf32, #tpu.memory_space<vmem>>, %arg4: memref<2000x64xf32, #tpu.memory_space<vmem>>) attributes {dimension_semantics = [#tpu.dimension_semantics<arbitrary>], iteration_bounds = array<i64: 5>, scalar_prefetch = 0 : i64, scratch_operands = 0 : i64, tpu.core_type = #tpu.core_type<tc>, window_params = [{transform_indices = @transform_0, window_bounds = array<i64: 2, 2000, 64>}, {transform_indices = @transform_1, window_bounds = array<i64: 2000, 64>}, {transform_indices = @transform_2, window_bounds = array<i64: 2000, 1>}, {transform_indices = @transform_3, window_bounds = array<i64: 2000, 64>}]} {
    %get3A = arith.constant 0 : index
    %get3A_0 = arith.constant 0 : index
    %get3A_1 = arith.constant 0 : index
    %get3A_2 = vector.load %arg1[%get3A, %get3A_0, %get3A_1] : memref<2x2000x64xbf16, #tpu.memory_space<vmem>>, vector<1x2000x64xbf16>
    %get3A_3 = vector.shape_cast %get3A_2 : vector<1x2000x64xbf16> to vector<2000x64xbf16>
    %convert_element_type3A = arith.extf %get3A_3 : vector<2000x64xbf16> to vector<2000x64xf32>
    %get3A_4 = arith.constant 1 : index
    %get3A_5 = arith.constant 0 : index
    %get3A_6 = arith.constant 0 : index
    %get3A_7 = vector.load %arg1[%get3A_4, %get3A_5, %get3A_6] : memref<2x2000x64xbf16, #tpu.memory_space<vmem>>, vector<1x2000x64xbf16>
    %get3A_8 = vector.shape_cast %get3A_7 : vector<1x2000x64xbf16> to vector<2000x64xbf16>
    %convert_element_type3A_9 = arith.extf %get3A_8 : vector<2000x64xbf16> to vector<2000x64xf32>
    %add3A = arith.addf %convert_element_type3A, %convert_element_type3A_9 : vector<2000x64xf32>
    %get3A_10 = arith.constant 0 : index
    %get3A_11 = arith.constant 0 : index
    %get3A_12 = vector.load %arg3[%get3A_10, %get3A_11] : memref<2000x1xf32, #tpu.memory_space<vmem>>, vector<2000x1xf32>
    %div3A = vector.broadcast %get3A_12 : vector<2000x1xf32> to vector<2000x64xf32>
    %div3A_13 = arith.divf %add3A, %div3A : vector<2000x64xf32>
    %get3A_14 = arith.constant 0 : index
    %get3A_15 = arith.constant 0 : index
    %get3A_16 = vector.load %arg2[%get3A_14, %get3A_15] : memref<2000x64xf32, #tpu.memory_space<vmem>>, vector<2000x64xf32>
    %add3A_17 = arith.addf %div3A_13, %get3A_16 : vector<2000x64xf32>
    %mul3A = arith.mulf %add3A_17, %add3A_17 : vector<2000x64xf32>
    %reduce_sum3A = arith.constant dense<0.000000e+00> : vector<2000xf32>
    %reduce_sum3A_18 = vector.multi_reduction <add>, %mul3A, %reduce_sum3A [1] : vector<2000x64xf32> to vector<2000xf32>
    %broadcast_in_dim3A = vector.shape_cast %reduce_sum3A_18 : vector<2000xf32> to vector<2000x1xf32>
    %sqrt3A = math.sqrt %broadcast_in_dim3A : vector<2000x1xf32>
    %max3A = arith.constant 9.99999996E-13 : f32
    %max3A_19 = vector.broadcast %max3A : f32 to vector<2000x1xf32>
    %max3A_20 = arith.maximumf %sqrt3A, %max3A_19 : vector<2000x1xf32>
    %div3A_21 = vector.broadcast %max3A_20 : vector<2000x1xf32> to vector<2000x64xf32>
    %div3A_22 = arith.divf %add3A_17, %div3A_21 : vector<2000x64xf32>
    %swap3A = arith.constant 0 : index
    %swap3A_23 = arith.constant 0 : index
    %swap3A_24 = vector.load %arg4[%swap3A, %swap3A_23] : memref<2000x64xf32, #tpu.memory_space<vmem>>, vector<2000x64xf32>
    tpu.vector_store %arg4[%swap3A, %swap3A_23], %div3A_22 {strides = array<i32>} : memref<2000x64xf32, #tpu.memory_space<vmem>>, vector<2000x64xf32>,
    return
  }
  func.func @transform_0(%arg0: i32) -> (i32, i32, i32) {
    %c0_i32 = arith.constant 0 : i32
    %c0_i32_0 = arith.constant 0 : i32
    %c0_i32_1 = arith.constant 0 : i32
    return %c0_i32, %arg0, %c0_i32_0 : i32, i32, i32
  }
  func.func @transform_1(%arg0: i32) -> (i32, i32) {
    %c0_i32 = arith.constant 0 : i32
    %c0_i32_0 = arith.constant 0 : i32
    return %arg0, %c0_i32 : i32, i32
  }
  func.func @transform_2(%arg0: i32) -> (i32, i32) {
    %c0_i32 = arith.constant 0 : i32
    %c0_i32_0 = arith.constant 0 : i32
    return %arg0, %c0_i32 : i32, i32
  }
  func.func @transform_3(%arg0: i32) -> (i32, i32) {
    %c0_i32 = arith.constant 0 : i32
    %c0_i32_0 = arith.constant 0 : i32
    return %arg0, %c0_i32 : i32, i32
  }
}

</mosaic_0001>

<sc_bundles>
// kernel: kernel.12.cloned.1.call-start
scs
__scs_entry_jumppad:
0x0: {  	(pc) =	sbr.rel $0x88, $3  }
0x1: {  	(tag) =	ssettag $0x0;
	lr =	simm.s32 $0x1  }
0x2: {  	[smem:$0x3F95] =	sst lr;
	_ =	strace $0xD0000000  }
0x3: {  	_ = 	snop  }
0x4: {  	_ = 	snop  }
0x5: {  	_ = 	snop  }
0x6: {  	_ = 	snop  }
0x7: {  	_ = 	snop  }
__scs_overlays_trampoline_lowered:
0x8: {  	[smem:$0x3FA4] =	sst s0  }
0x9: {  	[smem:$0x3FA5] =	sst s1  }
0xa: {  	[smem:$0x3FA6] =	sst s2  }
0xb: {  	[smem:$0x3FA7] =	sst s3  }
0xc: {  	[smem:$0x3FA8] =	sst s4  }
0xd: {  	[smem:$0x3FA9] =	sst s5  }
0xe: {  	[smem:$0x3FAA] =	sst s6  }
0xf: {  	[smem:$0x3FAB] =	sst s7  }
0x10: {  	[smem:$0x3FAC] =	sst s8  }
0x11: {  	[smem:$0x3FAD] =	sst s9;
	s0 =	simm.s32 @!p0 $0x0  }
0x12: {  	s1 =	sld [smem:$0x3F93];
	s0 =	simm.s32 @p0 $0x1  }
0x13: {  	[smem:$0x3FAE] =	sst s0;
	s0 =	simm.s32 @!p1 $0x0  }
0x14: {  	s2 =	sld [smem:$0x3F92];
	s0 =	simm.s32 @p1 $0x1  }
0x15: {  	[smem:$0x3FAF] =	sst s0;
	s0 =	simm.s32 @!p2 $0x0  }
0x16: {  	s3 =	sld [smem:$0x3FDB];
	s0 =	simm.s32 @p2 $0x1  }
0x17: {  	s4 =	simm.s32 $0x1BF5;
	[smem:$0x3FB1] =	sst s0  }
0x18: {  	s0 =	sld [smem:$0x3F94];
	_ =	swait.ge [sflag:s4], $0x0  }
0x19: {  	s7 =	sld [smem:$0x3F95]  }
0x1a: {  	s8 =	sadd.s32 $0xFFFFE003, lr  }
0x1b: {  	s9 =	sadd.s32 $0xFFFFFEF7, lr;
	s5 =	simm.s32 $0xFFFFFFFF;
	p2 =	slt.u32 s8, $0xFFFFF086  }
0x1c: {  	p1 =	slt.u32 s9, $0xF7A;
	s5 =	simm.s32 @!p2 $0x0  }
0x1d: {  	s5 =	simm.s32 @p1 $0x1;
	p0 =	seq.s32 s7, s2  }
0x1e: {  	s7 =	smul.u32 @!p0 $0xF7A, s2;
	p2 =	seq.s32 @!p0 s5, $0x0  }
0x1f: {  	s9 =	smul.u32 $0xF7A, s1;
	s8 =	simm.s32 @!p0 $0x1BF5;
	p2 =	por !p2, p0  }
0x20: {  	[sflag:s8] =	ssyncset.s32 @!p0 $0xFFFFF086;
	s6 =	sadd.s32 @!p0 s3, s7;
	s7 =	simm.s32 @!p0 $0x108  }
0x21: {  	s3 =	sadd.s32 s3, s9;
	s6 =	sadd.s32 @!p0 $0x88, s6;
	s7 =	simm.s32 @p2 $0x1082  }
0x22: {  	[simem:s7], [sflag:s8] =	dma.local @!p0 [hbm:s6], $0xF7A  }
0x23: {  	s9 =	sor.u32 $0xD0000000, s2;
	s6 =	simm.s32 $0x108;
	_ =	swait.ge @!p0 [sflag:s8], $0x0  }
0x24: {  	s3 =	sadd.s32 $0x88, s3;
	s6 =	simm.s32 @!p1 $0x1082;
	[sflag:s4] =	ssyncset.s32 $0xFFFFF086  }
0x25: {  	[simem:s6], [sflag:s4] =	dma.local [hbm:s3], $0xF7A  }
0x26: {  	[smem:$0x3F95] =	sst s1;
	(tag) =	ssettag s2;
	_ =	strace s9  }
0x27: {  	s1 =	sld [smem:$0x3FA5]  }
0x28: {  	s2 =	sld [smem:$0x3FA6]  }
0x29: {  	s4 =	sld [smem:$0x3FA8]  }
0x2a: {  	p0 =	seq.s32 s5, $0x0;
	s5 =	sld [smem:$0x3FA9]  }
0x2b: {  	s6 =	sld [smem:$0x3FAA]  }
0x2c: {  	s7 =	sld [smem:$0x3FAB]  }
0x2d: {  	s3 =	simm.s32 $0x108;
	s8 =	sld [smem:$0x3FAC]  }
0x2e: {  	s3 =	simm.s32 @!p0 $0x1082;
	s9 =	sld [smem:$0x3FAD]  }
0x2f: {  	lr =	sadd.s32 s0, s3;
	s0 =	sld [smem:$0x3FA4]  }
0x30: {  	s3 =	sld [smem:$0x3FA7]  }
0x31: {  	[smem:$0x3FB0] =	sst s10  }
0x32: {  	s10 =	sld [smem:$0x3FAE];
	_ =	sdelay $0x3  }
0x33: {  	p0 =	seq.s32 s10, $0x1;
	s10 =	sld [smem:$0x3FB0];
	_ =	sdelay $0x3  }
0x34: {  	[smem:$0x3FB0] =	sst s10  }
0x35: {  	s10 =	sld [smem:$0x3FAF];
	_ =	sdelay $0x3  }
0x36: {  	p1 =	seq.s32 s10, $0x1;
	s10 =	sld [smem:$0x3FB0];
	_ =	sdelay $0x3  }
0x37: {  	[smem:$0x3FB0] =	sst s10  }
0x38: {  	s10 =	sld [smem:$0x3FB1]  }
0x39: {  	_ = 	snop;
	(pc) =	sbr.ind lr, $3  }
0x3a: {  	_ = 	snop  }
0x3b: {  	_ = 	snop  }
0x3c: {  	p2 =	seq.s32 s10, $0x1;
	s10 =	sld [smem:$0x3FB0]  }
0x3d: {  	_ =	shalt  }
0x3e: {  	_ =	shalt  }
0x3f: {  	_ =	shalt  }
0x40: {  	_ =	shalt  }
0x41: {  	_ =	shalt  }
0x42: {  	_ =	shalt  }
0x43: {  	_ =	shalt  }
0x44: {  	_ =	shalt  }
0x45: {  	_ =	shalt  }
0x46: {  	_ =	shalt  }
0x47: {  	_ =	shalt  }
0x48: {  	_ =	shalt  }
0x49: {  	_ =	shalt  }
0x4a: {  	_ =	shalt  }
0x4b: {  	_ =	shalt  }
0x4c: {  	_ =	shalt  }
0x4d: {  	_ =	shalt  }
0x4e: {  	_ =	shalt  }
0x4f: {  	_ =	shalt  }
0x50: {  	_ =	shalt  }
0x51: {  	_ =	shalt  }
0x52: {  	_ =	shalt  }
0x53: {  	_ =	shalt  }
0x54: {  	_ =	shalt  }
0x55: {  	_ =	shalt  }
0x56: {  	_ =	shalt  }
0x57: {  	_ =	shalt  }
0x58: {  	_ =	shalt  }
0x59: {  	_ =	shalt  }
0x5a: {  	_ =	shalt  }
0x5b: {  	_ =	shalt  }
0x5c: {  	_ =	shalt  }
0x5d: {  	_ =	shalt  }
0x5e: {  	_ =	shalt  }
0x5f: {  	_ =	shalt  }
0x60: {  	_ =	shalt  }
0x61: {  	_ =	shalt  }
0x62: {  	_ =	shalt  }
0x63: {  	_ =	shalt  }
0x64: {  	_ =	shalt  }
0x65: {  	_ =	shalt  }
0x66: {  	_ =	shalt  }
0x67: {  	_ =	shalt  }
0x68: {  	_ =	shalt  }
0x69: {  	_ =	shalt  }
0x6a: {  	_ =	shalt  }
0x6b: {  	_ =	shalt  }
0x6c: {  	_ =	shalt  }
0x6d: {  	_ =	shalt  }
0x6e: {  	_ =	shalt  }
0x6f: {  	_ =	shalt  }
0x70: {  	_ =	shalt  }
0x71: {  	_ =	shalt  }
0x72: {  	_ =	shalt  }
0x73: {  	_ =	shalt  }
0x74: {  	_ =	shalt  }
0x75: {  	_ =	shalt  }
0x76: {  	_ =	shalt  }
0x77: {  	_ =	shalt  }
0x78: {  	_ =	shalt  }
0x79: {  	_ =	shalt  }
0x7a: {  	_ =	shalt  }
0x7b: {  	_ =	shalt  }
0x7c: {  	_ =	shalt  }
0x7d: {  	_ =	shalt  }
0x7e: {  	_ =	shalt  }
0x7f: {  	_ =	shalt  }
0x80: {  	_ =	shalt  }
0x81: {  	_ =	shalt  }
0x82: {  	_ =	shalt  }
0x83: {  	_ =	shalt  }
0x84: {  	_ =	shalt  }
0x85: {  	_ =	shalt  }
0x86: {  	_ =	shalt  }
0x87: {  	_ =	shalt  }
.Lfunc_end0:
.L_simem_size_0:
called_computation.1_lowered:
.L_overlay_start_0:
0x88: {  	s2 =	sld [smem:$0x3FD9]  }
0x89: {  	s3 =	sld [smem:$0x3FFE];
	_ =	sdelay $0x1  }
0x8a: {  	s1 =	srdreg.scid  }
0x8b: {  	s0 =	sand.u32 $0x1, s1  }
0x8c: {  	s17 =	sshll.u32 s0, $0xA;
	s2 =	sadd.s32 s3, s2  }
0x8d: {  	s2 =	sadd.s32 s2, s17  }
0x8e: {  	[smem:$0x3FBC] =	sst s2  }
0x8f: {  	_ = 	snop  }
0x90: {  	s2 =	sld [smem:$0x3FD0];
	(tm) =	ssettm $0x1  }
0x91: {  	s18 =	sld [smem:$0x3FFB];
	_ =	sdelay $0x3  }
0x92: {  	_ =	strace s18  }
0x93: {  	s3 =	sld [smem:$0x3FFC];
	_ =	sdelay $0x3  }
0x94: {  	_ =	strace s3  }
0x95: {  	s3 =	sld [smem:$0x3FFD];
	_ =	sdelay $0x3  }
0x96: {  	_ =	strace s3  }
0x97: {  	_ =	strace $0x8FFFFFFF  }
0x98: {  	s19 =	sld [smem:$0x3FDB];
	_ =	sdelay $0x1  }
0x99: {  	s4 =	simm.s32 $_scs_section_size  }
0x9a: {  	s5 =	simm.s32 $_size__tile_overlayer_lowered;
	s6 =	simm.s32 $_tile_overlayer_lowered  }
0x9b: {  	s22 =	simm.s32 $0x1BFF;
	s21 =	sshll.u32 s6, $0x1;
	s3 =	sadd.s32 s4, s19  }
0x9c: {  	s7 =	simm.s32 $0x0;
	s20 =	sshll.u32 s5, $0x1;
	s5 =	sadd.s32 s21, s3  }
0x9d: {  	[timem:s7], [sflag:s22] =	dma.local [hbm:s5], s20  }
0x9e: {  	_ =	swait.ge [sflag:s22], s20  }
0x9f: {  	s4 =	ssub.s32 $0x0, s20;
	[sflag:s22] =	ssyncset.done $0x0  }
0xa0: {  	[sflag:s22] =	ssyncadd.s32 s4;
	_ =	sdelay $0x1  }
0xa1: {  	s23 =	simm.s32 $0x1B8B  }
0xa2: {  	_ =	swait.ge [sflag:s23], $0x1  }
0xa3: {  	[sflag:s23] =	ssyncset.done $0x0  }
0xa4: {  	s25 =	simm.s32 $0x1B8E;
	s24 =	sld [smem:$0x3FFE];
	[sflag:s23] =	ssyncadd.s32 $0xFFFFFFFF  }
0xa5: {  	s26 =	simm.s32 $execute0_lowered;
	[smem:$0x3FD2] =	sst s25  }
0xa6: {  	s5 =	sshll.u32 s26, $0x1;
	_ =	strace $0x80000049;
	[dreg:$0x1] =	wrdreg $0xFFFFFFFF  }
0xa7: {  	s28 =	simm.s32 $_size_execute0_lowered;
	s3 =	sadd.s32 s3, s5;
	[dreg:$0x0] =	wrdreg $0x0  }
0xa8: {  	s5 =	sshll.u32 s28, $0x1;
	[dreg:$0x2] =	wrdreg s3  }
0xa9: {  	[dreg:$0x3] =	wrdreg s5  }
0xaa: {  	[dreg:$0x4] =	wrdreg $0xC0  }
0xab: {  	_ =	task [dreg:s7], $0x5FFFF  }
0xac: {  	[dreg:$0x1] =	wrdreg $0xFFFFFFFF  }
0xad: {  	[dreg:$0x0] =	wrdreg $0x60  }
0xae: {  	[dreg:$0x2] =	wrdreg s24  }
0xaf: {  	[dreg:$0x3] =	wrdreg s2  }
0xb0: {  	[dreg:$0x4] =	wrdreg $0x47400  }
0xb1: {  	[dreg:$0x5] =	wrdreg $0x95600  }
0xb2: {  	[dreg:$0x6] =	wrdreg $0x9  }
0xb3: {  	_ =	task.clear_ibuf [dreg:s7], $0x7FFFF;
	_ =	strace $0x90000049  }
0xb4: {  	s29 =	simm.s32 $0x9;
	_ =	strace $0x8000004B  }
0xb5: {  	_ =	swait.ge [sflag:s29], $0x1  }
0xb6: {  	[sflag:s29] =	ssyncadd.s32 $0xFFFFFFFF  }
0xb7: {  	_ =	strace $0x9000004B  }
0xb8: {  	_ =	sfence  }
0xb9: {  	s30 =	sld [smem:$0x0];
	_ =	sdelay $0x2  }
0xba: {  	s31 =	sshll.u32 s1, $0xD;
	s1 =	sshrl.u32 s1, $0x2  }
0xbb: {  	s3 =	sand.u32 $0x4000, s31;
	s1 =	sadd.s32 s1, s30  }
0xbc: {  	s0 =	sor.u32 s3, s0;
	s1 =	sshll.u32 s1, $0x11  }
0xbd: {  	s0 =	sor.u32 s1, s0  }
0xbe: {  	s0 =	sadd.s32 $0x8F2B, s0  }
0xbf: {  	[sflag:s0] =	ssyncadd.remote.s32 $0x1  }
0xc0: {  	_ =	sfence.sel $0xFFFF  }
0xc1: {  	[dreg:$0x0] =	wrdreg $0xFFFFFFFF;
	(pc) =	sbr.abs _section_cstart, $3  }
0xc2: {  	[dreg:$0x1] =	wrdreg $0xFFFFFFFF  }
0xc3: {  	_ =	task.clear_ibuf [dreg:s7], $0x2FFFF;
	_ =	strace $0x9FFFFFFF  }
0xc4: {  	(tm) =	ssettm $0x7FFFFFFF  }
0xc5: {  	_ =	shalt  }
tec
execute0_lowered:
.L_overlay_start_1:
0x0: {  	(tag) =	ssettag $0x1  }
0x1: {  	s5 =	rddreg [dreg:$0x0]  }
0x2: {  	s10 =	rddreg [dreg:$0x1]  }
0x3: {  	s2 =	rddreg [dreg:$0x2]  }
0x4: {  	s0 =	srdreg.scid;
	s3 =	rddreg [dreg:$0x3];
	s4 =	simm.s32 $0x0  }
0x5: {  	s16 =	simm.s32 $0x7D;
	s17 =	simm.s32 $0x2800;
	s18 =	simm.s32 $0x1  }
0x6: {  	s19 =	simm.s32 $0x37A0;
	s20 =	simm.s32 $0x3;
	s21 =	simm.s32 $0x2  }
0x7: {  	s22 =	simm.s32 $0x4;
	s6 =	sand.u32 $0x1, s0;
	s0 =	stileid.u32  }
0x8: {  	s23 =	simm.s32 $0x2700;
	s24 =	simm.s32 $0x1380;
	s7 =	smul.u32 $0x9C40, s0  }
0x9: {  	[smem:$0x7FF] =	sst s4;
	s1 =	sshll.u32 s6, $0x4;
	s11 =	smul.u32 $0x9E00, s0  }
0xa: {  	s13 =	ssub.s32 $0x2, s6;
	s28 =	smul.u32 $0x9E000, s6;
	s29 =	sshll.u32 s0, $0x6  }
0xb: {  	s8 =	sor.u32 s0, s1;
	s1 =	rddreg [dreg:$0x4];
	_ =	strace $0x8000004A  }
0xc: {  	s26 =	sshrl.u32 s13, $0x1;
	s6 =	sor.u32 $0x1C05, s29;
	s8 =	smul.u32 $0x280, s8  }
0xd: {  	s9 =	sshrl.u32 s7, $0x4;
	s25 =	sshrl.u32 s11, $0x4;
	s7 =	sshrl.u32 s7, $0x1  }
0xe: {  	s13 =	ssub.s32 s13, s26;
	s30 =	sshrl.u32 s11, $0x1;
	s31 =	sadd.s32 s11, s28  }
0xf: {  	s26 =	simm.s32 $0x0;
	s9 =	sadd.s32 s9, s5;
	s14 =	sadd.s32 s7, s2  }
0x10: {  	s15 =	sadd.s32 s30, s3;
	s11 =	sshrl.u32 s31, $0x4;
	s12 =	sadd.s32 s8, s5  }
0x11: {  	s8 =	sadd.s32 s25, s5;
	s5 =	sadd.s32 $0x79600, s9;
	s10 =	sadd.s32 s10, s11  }
0x12: {  	s11 =	smax.u32 s13, $0x1;
	s13 =	simm.s32 $0x5;
	s25 =	simm.s32 $0x2780  }
0x13: {  	s7 =	sadd.s32 $0x6F800, s8;
	s8 =	sadd.s32 $0x7600, s12;
	s9 =	sadd.s32 $0x2600, s12  }
0x14: {  	s12 =	sshrl.u32 s14, $0x3;
	s14 =	sshrl.u32 s15, $0x3;
	s15 =	simm.s32 $0x1400  }
.LBB2_1:
0x15: {  	[spmem:s12], [sflag:s6] =	dma.local [hbm:s5], $0x9C4  }
0x16: {  	_ =	swait.ge [sflag:s13], $0x9C4  }
0x17: {  	[sflag:s13] =	ssyncset.done $0x0  }
0x18: {  	[sflag:s13] =	ssyncadd.s32 $0xFFFFF63C  }
0x19: {  	[spmem:s14], [sflag:s6] =	dma.local [hbm:s7], $0x9E0  }
0x1a: {  	_ =	swait.ge [sflag:s13], $0x9E0  }
0x1b: {  	[sflag:s13] =	ssyncset.done $0x0  }
0x1c: {  	[sflag:s13] =	ssyncadd.s32 $0xFFFFF620  }
0x1d: {  	[tilespmem:s4], [sflag:$0x5] =	stream.linear.gather [hbm4b:s8+s4], $0x1400, $0x38;
	[tilespmem:$0xE460] =	vst v63  }
0x1e: {  	_ =	swait.ge [sflag:s13], $0x1400  }
0x1f: {  	[sflag:s13] =	ssyncset.done $0x0  }
0x20: {  	[sflag:s13] =	ssyncadd.s32 $0xFFFFEC00  }
0x21: {  	[tilespmem:s15], [sflag:$0x5] =	stream.linear.gather [hbm4b:s9+s4], $0x1400, $0x38;
	[tilespmem:$0xE460] =	vst v63  }
0x22: {  	_ =	swait.ge [sflag:s13], $0x1400  }
0x23: {  	[sflag:s13] =	ssyncset.done $0x0  }
0x24: {  	[sflag:s13] =	ssyncadd.s32 $0xFFFFEC00  }
0x25: {  	[bflag:$0x0] =	sbarrier.arrive $0xFFFF  }
0x26: {  	[tilespmem:s17], [sflag:$0x1] =	stream.indirect.gather [spmem:s2], $0x20, s4, s16, $0xb8;
	[tilespmem:$0xE460] =	vst v63  }
0x27: {  	_ =	swait.ge [sflag:s18], $0xFA0  }
0x28: {  	[sflag:s18] =	ssyncset.done $0x0  }
0x29: {  	s28 =	simm.s32 $0x1400;
	[sflag:s18] =	ssyncadd.s32 $0xFFFFF060  }
0x2a: {  	[spmem:s3] =	stream.indirect.scatter.add.bf16 [tilespmem:s17], [sflag:$0x3], $0x20, s28, s16, $0xb8;
	[tilespmem:$0xE460] =	vst v63  }
0x2b: {  	s28 =	simm.s32 $0x80  }
0x2c: {  	[tilespmem:s19], [sflag:$0x2] =	stream.indirect.gather [spmem:s2], $0x20, s28, s16, $0xb8;
	[tilespmem:$0xE460] =	vst v63  }
0x2d: {  	_ =	swait.ge [sflag:s20], $0xFA0  }
0x2e: {  	[sflag:s20] =	ssyncset.done $0x0  }
0x2f: {  	[sflag:s20] =	ssyncadd.s32 $0xFFFFF060  }
0x30: {  	_ =	swait.ge [sflag:s21], $0xFA0  }
0x31: {  	[sflag:s21] =	ssyncset.done $0x0  }
0x32: {  	s28 =	simm.s32 $0x1480;
	[sflag:s21] =	ssyncadd.s32 $0xFFFFF060  }
0x33: {  	[spmem:s3] =	stream.indirect.scatter.add.bf16 [tilespmem:s19], [sflag:$0x4], $0x20, s28, s16, $0xb8;
	[tilespmem:$0xE460] =	vst v63  }
0x34: {  	s28 =	simm.s32 $0x100  }
0x35: {  	[tilespmem:s17], [sflag:$0x1] =	stream.indirect.gather [spmem:s2], $0x20, s28, s16, $0xb8;
	[tilespmem:$0xE460] =	vst v63  }
0x36: {  	_ =	swait.ge [sflag:s22], $0xFA0  }
0x37: {  	s28 =	simm.s32 $0x400;
	[sflag:s22] =	ssyncset.done $0x0  }
.LBB2_2:
0x38: {  	p0 =	sne.s32 s28, $0x4800  }
0x39: {  	[sflag:s22] =	ssyncadd.s32 $0xFFFFF060;
	s29 =	smov.u32 s28;
	s28 =	sadd.s32 $0x400, s28  }
0x3a: {  	_ = 	snop  }
0x3b: {  	_ =	swait.ge [sflag:s18], $0xFA0  }
0x3c: {  	s29 =	sshra.s32 s29, $0x2;
	[sflag:s18] =	ssyncset.done $0x0  }
0x3d: {  	s30 =	sadd.s32 $0x1400, s29;
	[sflag:s18] =	ssyncadd.s32 $0xFFFFF060  }
0x3e: {  	[spmem:s3] =	stream.indirect.scatter.add.bf16 [tilespmem:s17], [sflag:$0x3], $0x20, s30, s16, $0xb8;
	[tilespmem:$0xE460] =	vst v63  }
0x3f: {  	s30 =	sadd.s32 $0x80, s29  }
0x40: {  	[tilespmem:s19], [sflag:$0x2] =	stream.indirect.gather [spmem:s2], $0x20, s30, s16, $0xb8;
	[tilespmem:$0xE460] =	vst v63  }
0x41: {  	_ =	swait.ge [sflag:s20], $0xFA0  }
0x42: {  	[sflag:s20] =	ssyncset.done $0x0  }
0x43: {  	[sflag:s20] =	ssyncadd.s32 $0xFFFFF060  }
0x44: {  	_ =	swait.ge [sflag:s21], $0xFA0  }
0x45: {  	[sflag:s21] =	ssyncset.done $0x0  }
0x46: {  	s30 =	sadd.s32 $0x1480, s29;
	[sflag:s21] =	ssyncadd.s32 $0xFFFFF060  }
0x47: {  	[spmem:s3] =	stream.indirect.scatter.add.bf16 [tilespmem:s19], [sflag:$0x4], $0x20, s30, s16, $0xb8;
	[tilespmem:$0xE460] =	vst v63  }
.Ltmp0:
0x48: {  	_ = 	snop;
	(pc) =	sbr.rel @p0 .LBB2_2-.Ltmp0, $4  }
0x49: {  	s29 =	sadd.s32 $0x100, s29  }
0x4a: {  	[tilespmem:s17], [sflag:$0x1] =	stream.indirect.gather [spmem:s2], $0x20, s29, s16, $0xb8;
	[tilespmem:$0xE460] =	vst v63  }
0x4b: {  	_ =	swait.ge [sflag:s22], $0xFA0  }
0x4c: {  	[sflag:s22] =	ssyncset.done $0x0  }
0x4d: {  	[sflag:s22] =	ssyncadd.s32 $0xFFFFF060  }
0x4e: {  	_ =	swait.ge [sflag:s18], $0xFA0  }
0x4f: {  	[sflag:s18] =	ssyncset.done $0x0  }
0x50: {  	[sflag:s18] =	ssyncadd.s32 $0xFFFFF060  }
0x51: {  	[spmem:s3] =	stream.indirect.scatter.add.bf16 [tilespmem:s17], [sflag:$0x3], $0x20, s23, s16, $0xb8;
	[tilespmem:$0xE460] =	vst v63  }
0x52: {  	_ = 	snop  }
0x53: {  	[tilespmem:s19], [sflag:$0x2] =	stream.indirect.gather [spmem:s2], $0x20, s24, s16, $0xb8;
	[tilespmem:$0xE460] =	vst v63  }
0x54: {  	_ =	swait.ge [sflag:s20], $0xFA0  }
0x55: {  	[sflag:s20] =	ssyncset.done $0x0  }
0x56: {  	[sflag:s20] =	ssyncadd.s32 $0xFFFFF060  }
0x57: {  	_ =	swait.ge [sflag:s21], $0xFA0  }
0x58: {  	[sflag:s21] =	ssyncset.done $0x0  }
0x59: {  	[sflag:s21] =	ssyncadd.s32 $0xFFFFF060  }
0x5a: {  	[spmem:s3] =	stream.indirect.scatter.add.bf16 [tilespmem:s19], [sflag:$0x4], $0x20, s25, s16, $0xb8;
	[tilespmem:$0xE460] =	vst v63  }
0x5b: {  	_ =	swait.ge [sflag:s22], $0xFA0  }
0x5c: {  	s26 =	sadd.s32 $0x1, s26;
	[sflag:s22] =	ssyncset.done $0x0  }
0x5d: {  	p0 =	sne.s32 s26, s11;
	[sflag:s22] =	ssyncadd.s32 $0xFFFFF060  }
.Ltmp1:
0x5e: {  	[bflag:$0x0] =	sbarrier.arrive $0xFFFF;
	(pc) =	sbr.rel @p0 .LBB2_1-.Ltmp1, $4  }
0x5f: {  	[hbm:s10], [sflag:s6] =	dma.local [spmem:s14], $0x9E0  }
0x60: {  	_ =	swait.ge [sflag:s13], $0x9E0  }
0x61: {  	[sflag:s13] =	ssyncset.done $0x0  }
0x62: {  	[sflag:s13] =	ssyncadd.s32 $0xFFFFF620  }
0x63: {  	_ =	sfence.sel $0x180000  }
0x64: {  	[bflag:$0x0] =	sbarrier.arrive $0xFFFF  }
0x65: {  	p0 =	sne.s32 s0, $0x0;
	_ =	strace $0x9000004A  }
0x66: {  	s0 =	sadd.s32 @!p0 $0x100000, s1;
	[bflag:$0x2] =	sbarrier.arrive $0xFFFF  }
0x67: {  	[sflag:s0] =	ssyncadd.tile.s32 @!p0 $0x1;
	_ =	shalt  }
.Lfunc_end2:
_tile_overlayer_lowered:
.L_overlay_start_2:
0x68: {  	(tag) =	ssettag $0x2  }
0x69: {  	s0 =	rddreg [dreg:$0x0];
	s2 =	stileid.u32  }
0x6a: {  	s1 =	rddreg [dreg:$0x1];
	p0 =	sne.s32 s2, $0x0  }
0x6b: {  	s3 =	rddreg [dreg:$0x2];
	[bflag:$0x3] =	sbarrier.arrive $0xFFFF;
	s2 =	simm.s32 @!p0 $0x1C05  }
0x6c: {  	[timem:s3], [sflag:s2] =	dma.local @!p0 [hbm:s0], s1  }
0x6d: {  	s0 =	simm.s32 @!p0 $0x5  }
0x6e: {  	_ =	swait.ge @!p0 [sflag:s0], s1  }
0x6f: {  	s1 =	ssub.s32 @!p0 $0x0, s1;
	[sflag:s0] =	ssyncset.done @!p0 $0x0  }
0x70: {  	[sflag:s0] =	ssyncadd.s32 @!p0 s1  }
0x71: {  	[bflag:$0x3] =	sbarrier.arrive $0xFFFF  }
0x72: {  	_ =	shalt  }

// kernel: kernel.9.cloned.1.call-start
scs
__scs_entry_jumppad:
0x0: {  	(pc) =	sbr.rel $0x88, $3  }
0x1: {  	(tag) =	ssettag $0x0;
	lr =	simm.s32 $0x1  }
0x2: {  	[smem:$0x3F95] =	sst lr;
	_ =	strace $0xD0000000  }
0x3: {  	_ = 	snop  }
0x4: {  	_ = 	snop  }
0x5: {  	_ = 	snop  }
0x6: {  	_ = 	snop  }
0x7: {  	_ = 	snop  }
__scs_overlays_trampoline_lowered:
0x8: {  	[smem:$0x3FA4] =	sst s0  }
0x9: {  	[smem:$0x3FA5] =	sst s1  }
0xa: {  	[smem:$0x3FA6] =	sst s2  }
0xb: {  	[smem:$0x3FA7] =	sst s3  }
0xc: {  	[smem:$0x3FA8] =	sst s4  }
0xd: {  	[smem:$0x3FA9] =	sst s5  }
0xe: {  	[smem:$0x3FAA] =	sst s6  }
0xf: {  	[smem:$0x3FAB] =	sst s7  }
0x10: {  	[smem:$0x3FAC] =	sst s8  }
0x11: {  	[smem:$0x3FAD] =	sst s9;
	s0 =	simm.s32 @!p0 $0x0  }
0x12: {  	s1 =	sld [smem:$0x3F93];
	s0 =	simm.s32 @p0 $0x1  }
0x13: {  	[smem:$0x3FAE] =	sst s0;
	s0 =	simm.s32 @!p1 $0x0  }
0x14: {  	s2 =	sld [smem:$0x3F92];
	s0 =	simm.s32 @p1 $0x1  }
0x15: {  	[smem:$0x3FAF] =	sst s0;
	s0 =	simm.s32 @!p2 $0x0  }
0x16: {  	s3 =	sld [smem:$0x3FDB];
	s0 =	simm.s32 @p2 $0x1  }
0x17: {  	s4 =	simm.s32 $0x1BF5;
	[smem:$0x3FB1] =	sst s0  }
0x18: {  	s0 =	sld [smem:$0x3F94];
	_ =	swait.ge [sflag:s4], $0x0  }
0x19: {  	s7 =	sld [smem:$0x3F95]  }
0x1a: {  	s8 =	sadd.s32 $0xFFFFE003, lr  }
0x1b: {  	s9 =	sadd.s32 $0xFFFFFEF7, lr;
	s5 =	simm.s32 $0xFFFFFFFF;
	p2 =	slt.u32 s8, $0xFFFFF086  }
0x1c: {  	p1 =	slt.u32 s9, $0xF7A;
	s5 =	simm.s32 @!p2 $0x0  }
0x1d: {  	s5 =	simm.s32 @p1 $0x1;
	p0 =	seq.s32 s7, s2  }
0x1e: {  	s7 =	smul.u32 @!p0 $0xF7A, s2;
	p2 =	seq.s32 @!p0 s5, $0x0  }
0x1f: {  	s9 =	smul.u32 $0xF7A, s1;
	s8 =	simm.s32 @!p0 $0x1BF5;
	p2 =	por !p2, p0  }
0x20: {  	[sflag:s8] =	ssyncset.s32 @!p0 $0xFFFFF086;
	s6 =	sadd.s32 @!p0 s3, s7;
	s7 =	simm.s32 @!p0 $0x108  }
0x21: {  	s3 =	sadd.s32 s3, s9;
	s6 =	sadd.s32 @!p0 $0x88, s6;
	s7 =	simm.s32 @p2 $0x1082  }
0x22: {  	[simem:s7], [sflag:s8] =	dma.local @!p0 [hbm:s6], $0xF7A  }
0x23: {  	s9 =	sor.u32 $0xD0000000, s2;
	s6 =	simm.s32 $0x108;
	_ =	swait.ge @!p0 [sflag:s8], $0x0  }
0x24: {  	s3 =	sadd.s32 $0x88, s3;
	s6 =	simm.s32 @!p1 $0x1082;
	[sflag:s4] =	ssyncset.s32 $0xFFFFF086  }
0x25: {  	[simem:s6], [sflag:s4] =	dma.local [hbm:s3], $0xF7A  }
0x26: {  	[smem:$0x3F95] =	sst s1;
	(tag) =	ssettag s2;
	_ =	strace s9  }
0x27: {  	s1 =	sld [smem:$0x3FA5]  }
0x28: {  	s2 =	sld [smem:$0x3FA6]  }
0x29: {  	s4 =	sld [smem:$0x3FA8]  }
0x2a: {  	p0 =	seq.s32 s5, $0x0;
	s5 =	sld [smem:$0x3FA9]  }
0x2b: {  	s6 =	sld [smem:$0x3FAA]  }
0x2c: {  	s7 =	sld [smem:$0x3FAB]  }
0x2d: {  	s3 =	simm.s32 $0x108;
	s8 =	sld [smem:$0x3FAC]  }
0x2e: {  	s3 =	simm.s32 @!p0 $0x1082;
	s9 =	sld [smem:$0x3FAD]  }
0x2f: {  	lr =	sadd.s32 s0, s3;
	s0 =	sld [smem:$0x3FA4]  }
0x30: {  	s3 =	sld [smem:$0x3FA7]  }
0x31: {  	[smem:$0x3FB0] =	sst s10  }
0x32: {  	s10 =	sld [smem:$0x3FAE];
	_ =	sdelay $0x3  }
0x33: {  	p0 =	seq.s32 s10, $0x1;
	s10 =	sld [smem:$0x3FB0];
	_ =	sdelay $0x3  }
0x34: {  	[smem:$0x3FB0] =	sst s10  }
0x35: {  	s10 =	sld [smem:$0x3FAF];
	_ =	sdelay $0x3  }
0x36: {  	p1 =	seq.s32 s10, $0x1;
	s10 =	sld [smem:$0x3FB0];
	_ =	sdelay $0x3  }
0x37: {  	[smem:$0x3FB0] =	sst s10  }
0x38: {  	s10 =	sld [smem:$0x3FB1]  }
0x39: {  	_ = 	snop;
	(pc) =	sbr.ind lr, $3  }
0x3a: {  	_ = 	snop  }
0x3b: {  	_ = 	snop  }
0x3c: {  	p2 =	seq.s32 s10, $0x1;
	s10 =	sld [smem:$0x3FB0]  }
0x3d: {  	_ =	shalt  }
0x3e: {  	_ =	shalt  }
0x3f: {  	_ =	shalt  }
0x40: {  	_ =	shalt  }
0x41: {  	_ =	shalt  }
0x42: {  	_ =	shalt  }
0x43: {  	_ =	shalt  }
0x44: {  	_ =	shalt  }
0x45: {  	_ =	shalt  }
0x46: {  	_ =	shalt  }
0x47: {  	_ =	shalt  }
0x48: {  	_ =	shalt  }
0x49: {  	_ =	shalt  }
0x4a: {  	_ =	shalt  }
0x4b: {  	_ =	shalt  }
0x4c: {  	_ =	shalt  }
0x4d: {  	_ =	shalt  }
0x4e: {  	_ =	shalt  }
0x4f: {  	_ =	shalt  }
0x50: {  	_ =	shalt  }
0x51: {  	_ =	shalt  }
0x52: {  	_ =	shalt  }
0x53: {  	_ =	shalt  }
0x54: {  	_ =	shalt  }
0x55: {  	_ =	shalt  }
0x56: {  	_ =	shalt  }
0x57: {  	_ =	shalt  }
0x58: {  	_ =	shalt  }
0x59: {  	_ =	shalt  }
0x5a: {  	_ =	shalt  }
0x5b: {  	_ =	shalt  }
0x5c: {  	_ =	shalt  }
0x5d: {  	_ =	shalt  }
0x5e: {  	_ =	shalt  }
0x5f: {  	_ =	shalt  }
0x60: {  	_ =	shalt  }
0x61: {  	_ =	shalt  }
0x62: {  	_ =	shalt  }
0x63: {  	_ =	shalt  }
0x64: {  	_ =	shalt  }
0x65: {  	_ =	shalt  }
0x66: {  	_ =	shalt  }
0x67: {  	_ =	shalt  }
0x68: {  	_ =	shalt  }
0x69: {  	_ =	shalt  }
0x6a: {  	_ =	shalt  }
0x6b: {  	_ =	shalt  }
0x6c: {  	_ =	shalt  }
0x6d: {  	_ =	shalt  }
0x6e: {  	_ =	shalt  }
0x6f: {  	_ =	shalt  }
0x70: {  	_ =	shalt  }
0x71: {  	_ =	shalt  }
0x72: {  	_ =	shalt  }
0x73: {  	_ =	shalt  }
0x74: {  	_ =	shalt  }
0x75: {  	_ =	shalt  }
0x76: {  	_ =	shalt  }
0x77: {  	_ =	shalt  }
0x78: {  	_ =	shalt  }
0x79: {  	_ =	shalt  }
0x7a: {  	_ =	shalt  }
0x7b: {  	_ =	shalt  }
0x7c: {  	_ =	shalt  }
0x7d: {  	_ =	shalt  }
0x7e: {  	_ =	shalt  }
0x7f: {  	_ =	shalt  }
0x80: {  	_ =	shalt  }
0x81: {  	_ =	shalt  }
0x82: {  	_ =	shalt  }
0x83: {  	_ =	shalt  }
0x84: {  	_ =	shalt  }
0x85: {  	_ =	shalt  }
0x86: {  	_ =	shalt  }
0x87: {  	_ =	shalt  }
.Lfunc_end0:
.L_simem_size_0:
called_computation_lowered:
.L_overlay_start_0:
0x88: {  	s2 =	sld [smem:$0x3FD9]  }
0x89: {  	s3 =	sld [smem:$0x3FFE];
	_ =	sdelay $0x1  }
0x8a: {  	s1 =	srdreg.scid  }
0x8b: {  	s0 =	sand.u32 $0x1, s1  }
0x8c: {  	s16 =	sshll.u32 s0, $0xA;
	s2 =	sadd.s32 s3, s2  }
0x8d: {  	s2 =	sadd.s32 s2, s16  }
0x8e: {  	[smem:$0x3FBC] =	sst s2  }
0x8f: {  	_ = 	snop  }
0x90: {  	(tm) =	ssettm $0x1  }
0x91: {  	s17 =	sld [smem:$0x3FFB];
	_ =	sdelay $0x3  }
0x92: {  	_ =	strace s17  }
0x93: {  	s2 =	sld [smem:$0x3FFC];
	_ =	sdelay $0x3  }
0x94: {  	_ =	strace s2  }
0x95: {  	s2 =	sld [smem:$0x3FFD];
	_ =	sdelay $0x3  }
0x96: {  	_ =	strace s2  }
0x97: {  	_ =	strace $0x8FFFFFFF  }
0x98: {  	s18 =	sld [smem:$0x3FDB];
	_ =	sdelay $0x1  }
0x99: {  	s19 =	simm.s32 $_scs_section_size  }
0x9a: {  	s4 =	simm.s32 $_size__tile_overlayer_lowered;
	s5 =	simm.s32 $_tile_overlayer_lowered  }
0x9b: {  	s22 =	simm.s32 $0x1BFF;
	s21 =	sshll.u32 s5, $0x1;
	s2 =	sadd.s32 s19, s18  }
0x9c: {  	s6 =	simm.s32 $0x0;
	s20 =	sshll.u32 s4, $0x1;
	s4 =	sadd.s32 s21, s2  }
0x9d: {  	[timem:s6], [sflag:s22] =	dma.local [hbm:s4], s20  }
0x9e: {  	_ =	swait.ge [sflag:s22], s20  }
0x9f: {  	s3 =	ssub.s32 $0x0, s20;
	[sflag:s22] =	ssyncset.done $0x0  }
0xa0: {  	[sflag:s22] =	ssyncadd.s32 s3;
	_ =	sdelay $0x1  }
0xa1: {  	s23 =	simm.s32 $0x1B8B  }
0xa2: {  	_ =	swait.ge [sflag:s23], $0x1  }
0xa3: {  	[sflag:s23] =	ssyncset.done $0x0  }
0xa4: {  	s25 =	simm.s32 $0x1B8E;
	s24 =	sld [smem:$0x3FFE];
	[sflag:s23] =	ssyncadd.s32 $0xFFFFFFFF  }
0xa5: {  	s26 =	simm.s32 $execute0_lowered;
	[smem:$0x3FD2] =	sst s25  }
0xa6: {  	s4 =	sshll.u32 s26, $0x1;
	_ =	strace $0x80000046;
	[dreg:$0x1] =	wrdreg $0xFFFFFFFF  }
0xa7: {  	s28 =	simm.s32 $_size_execute0_lowered;
	s2 =	sadd.s32 s2, s4;
	[dreg:$0x0] =	wrdreg $0x0  }
0xa8: {  	s4 =	sshll.u32 s28, $0x1;
	[dreg:$0x2] =	wrdreg s2  }
0xa9: {  	[dreg:$0x3] =	wrdreg s4  }
0xaa: {  	[dreg:$0x4] =	wrdreg $0xC0  }
0xab: {  	_ =	task [dreg:s6], $0x5FFFF  }
0xac: {  	[dreg:$0x1] =	wrdreg $0xFFFFFFFF  }
0xad: {  	[dreg:$0x0] =	wrdreg $0x60  }
0xae: {  	[dreg:$0x2] =	wrdreg s24  }
0xaf: {  	[dreg:$0x3] =	wrdreg $0x76200  }
0xb0: {  	[dreg:$0x4] =	wrdreg $0x139700  }
0xb1: {  	[dreg:$0x5] =	wrdreg $0x9  }
0xb2: {  	_ =	task.clear_ibuf [dreg:s6], $0x6FFFF;
	_ =	strace $0x90000046  }
0xb3: {  	s29 =	simm.s32 $0x9;
	_ =	strace $0x80000048  }
0xb4: {  	_ =	swait.ge [sflag:s29], $0x1  }
0xb5: {  	[sflag:s29] =	ssyncadd.s32 $0xFFFFFFFF  }
0xb6: {  	_ =	strace $0x90000048  }
0xb7: {  	_ =	sfence  }
0xb8: {  	s30 =	sld [smem:$0x0];
	_ =	sdelay $0x2  }
0xb9: {  	s31 =	sshll.u32 s1, $0xD;
	s1 =	sshrl.u32 s1, $0x2  }
0xba: {  	s3 =	sand.u32 $0x4000, s31;
	s1 =	sadd.s32 s1, s30  }
0xbb: {  	s0 =	sor.u32 s3, s0;
	s1 =	sshll.u32 s1, $0x11  }
0xbc: {  	s0 =	sor.u32 s1, s0  }
0xbd: {  	s0 =	sadd.s32 $0x8F2B, s0  }
0xbe: {  	[sflag:s0] =	ssyncadd.remote.s32 $0x1  }
0xbf: {  	_ =	sfence.sel $0xFFFF  }
0xc0: {  	[dreg:$0x0] =	wrdreg $0xFFFFFFFF;
	(pc) =	sbr.abs _section_cstart, $3  }
0xc1: {  	[dreg:$0x1] =	wrdreg $0xFFFFFFFF  }
0xc2: {  	_ =	task.clear_ibuf [dreg:s6], $0x2FFFF;
	_ =	strace $0x9FFFFFFF  }
0xc3: {  	(tm) =	ssettm $0x7FFFFFFF  }
tec
execute0_lowered:
.L_overlay_start_1:
0x0: {  	(tag) =	ssettag $0x1  }
0x1: {  	s6 =	rddreg [dreg:$0x0]  }
0x2: {  	s0 =	srdreg.scid;
	s2 =	rddreg [dreg:$0x1]  }
0x3: {  	s3 =	rddreg [dreg:$0x2];
	s4 =	simm.s32 $0x0;
	s16 =	simm.s32 $0x7D  }
0x4: {  	s17 =	simm.s32 $0x2800;
	s18 =	simm.s32 $0x1;
	s19 =	simm.s32 $0x4F10  }
0x5: {  	s20 =	simm.s32 $0x3;
	s21 =	simm.s32 $0x2;
	s22 =	simm.s32 $0x4  }
0x6: {  	s23 =	simm.s32 $0x2700;
	s5 =	sand.u32 $0x1, s0;
	s0 =	stileid.u32  }
0x7: {  	s24 =	simm.s32 $0x1380;
	s25 =	simm.s32 $0x2780;
	s7 =	smul.u32 $0x186A0, s0  }
0x8: {  	s26 =	simm.s32 $0x0;
	[smem:$0x7FF] =	sst s4;
	s9 =	smul.u32 $0x18B00, s0  }
0x9: {  	s1 =	sshll.u32 s5, $0x4;
	s11 =	smul.u32 $0x18B000, s5;
	s5 =	ssub.s32 $0x2, s5  }
0xa: {  	s30 =	sshll.u32 s0, $0x6;
	s1 =	sor.u32 s0, s1;
	s29 =	sshrl.u32 s5, $0x1  }
0xb: {  	s8 =	smul.u32 $0x280, s1;
	s1 =	rddreg [dreg:$0x3];
	s10 =	sshrl.u32 s7, $0x4  }
0xc: {  	_ =	strace $0x80000047;
	s28 =	sshrl.u32 s9, $0x4;
	s11 =	sadd.s32 s9, s11  }
0xd: {  	s7 =	sshrl.u32 s7, $0x1;
	s13 =	ssub.s32 s5, s29;
	s31 =	sshrl.u32 s9, $0x1  }
0xe: {  	s10 =	sadd.s32 s10, s6;
	s11 =	sshrl.u32 s11, $0x4;
	s14 =	sadd.s32 s7, s2  }
0xf: {  	s15 =	sadd.s32 s31, s3;
	s12 =	sadd.s32 s8, s6;
	s8 =	sadd.s32 s28, s6  }
0x10: {  	s11 =	sadd.s32 s11, s6;
	s5 =	sadd.s32 $0x25200, s10;
	s6 =	sor.u32 $0x1C05, s30  }
0x11: {  	s7 =	sadd.s32 $0xC600, s8;
	s8 =	sadd.s32 $0x7600, s12;
	s9 =	sadd.s32 $0x2600, s12  }
0x12: {  	s10 =	sadd.s32 $0x3DA00, s11;
	s11 =	smax.u32 s13, $0x1;
	s12 =	sshrl.u32 s14, $0x3  }
0x13: {  	s13 =	simm.s32 $0x5;
	s14 =	sshrl.u32 s15, $0x3;
	s15 =	simm.s32 $0x1400  }
.LBB2_1:
0x14: {  	[spmem:s12], [sflag:s6] =	dma.local [hbm:s5], $0x186A  }
0x15: {  	_ =	swait.ge [sflag:s13], $0x186A  }
0x16: {  	[sflag:s13] =	ssyncset.done $0x0  }
0x17: {  	[sflag:s13] =	ssyncadd.s32 $0xFFFFE796  }
0x18: {  	[spmem:s14], [sflag:s6] =	dma.local [hbm:s7], $0x18B0  }
0x19: {  	_ =	swait.ge [sflag:s13], $0x18B0  }
0x1a: {  	[sflag:s13] =	ssyncset.done $0x0  }
0x1b: {  	[sflag:s13] =	ssyncadd.s32 $0xFFFFE750  }
0x1c: {  	[tilespmem:s4], [sflag:$0x5] =	stream.linear.gather [hbm4b:s8+s4], $0x1400, $0x38;
	[tilespmem:$0x1FEF0] =	vst v63  }
0x1d: {  	_ =	swait.ge [sflag:s13], $0x1400  }
0x1e: {  	[sflag:s13] =	ssyncset.done $0x0  }
0x1f: {  	[sflag:s13] =	ssyncadd.s32 $0xFFFFEC00  }
0x20: {  	[tilespmem:s15], [sflag:$0x5] =	stream.linear.gather [hbm4b:s9+s4], $0x1400, $0x38;
	[tilespmem:$0x1FEF0] =	vst v63  }
0x21: {  	_ =	swait.ge [sflag:s13], $0x1400  }
0x22: {  	[sflag:s13] =	ssyncset.done $0x0  }
0x23: {  	[sflag:s13] =	ssyncadd.s32 $0xFFFFEC00  }
0x24: {  	[bflag:$0x0] =	sbarrier.arrive $0xFFFF  }
0x25: {  	[tilespmem:s17], [sflag:$0x1] =	stream.indirect.gather [spmem:s2], $0x50, s4, s16, $0xb8;
	[tilespmem:$0x1FEF0] =	vst v63  }
0x26: {  	_ =	swait.ge [sflag:s18], $0x2710  }
0x27: {  	[sflag:s18] =	ssyncset.done $0x0  }
0x28: {  	s28 =	simm.s32 $0x1400;
	[sflag:s18] =	ssyncadd.s32 $0xFFFFD8F0  }
0x29: {  	[spmem:s3] =	stream.indirect.scatter.add.bf16 [tilespmem:s17], [sflag:$0x3], $0x50, s28, s16, $0xb8;
	[tilespmem:$0x1FEF0] =	vst v63  }
0x2a: {  	s28 =	simm.s32 $0x80  }
0x2b: {  	[tilespmem:s19], [sflag:$0x2] =	stream.indirect.gather [spmem:s2], $0x50, s28, s16, $0xb8;
	[tilespmem:$0x1FEF0] =	vst v63  }
0x2c: {  	_ =	swait.ge [sflag:s20], $0x2710  }
0x2d: {  	[sflag:s20] =	ssyncset.done $0x0  }
0x2e: {  	[sflag:s20] =	ssyncadd.s32 $0xFFFFD8F0  }
0x2f: {  	_ =	swait.ge [sflag:s21], $0x2710  }
0x30: {  	[sflag:s21] =	ssyncset.done $0x0  }
0x31: {  	s28 =	simm.s32 $0x1480;
	[sflag:s21] =	ssyncadd.s32 $0xFFFFD8F0  }
0x32: {  	[spmem:s3] =	stream.indirect.scatter.add.bf16 [tilespmem:s19], [sflag:$0x4], $0x50, s28, s16, $0xb8;
	[tilespmem:$0x1FEF0] =	vst v63  }
0x33: {  	s28 =	simm.s32 $0x100  }
0x34: {  	[tilespmem:s17], [sflag:$0x1] =	stream.indirect.gather [spmem:s2], $0x50, s28, s16, $0xb8;
	[tilespmem:$0x1FEF0] =	vst v63  }
0x35: {  	_ =	swait.ge [sflag:s22], $0x2710  }
0x36: {  	s28 =	simm.s32 $0x400;
	[sflag:s22] =	ssyncset.done $0x0  }
.LBB2_2:
0x37: {  	p0 =	sne.s32 s28, $0x4800  }
0x38: {  	[sflag:s22] =	ssyncadd.s32 $0xFFFFD8F0;
	s29 =	smov.u32 s28;
	s28 =	sadd.s32 $0x400, s28  }
0x39: {  	_ = 	snop  }
0x3a: {  	_ =	swait.ge [sflag:s18], $0x2710  }
0x3b: {  	s29 =	sshra.s32 s29, $0x2;
	[sflag:s18] =	ssyncset.done $0x0  }
0x3c: {  	s30 =	sadd.s32 $0x1400, s29;
	[sflag:s18] =	ssyncadd.s32 $0xFFFFD8F0  }
0x3d: {  	[spmem:s3] =	stream.indirect.scatter.add.bf16 [tilespmem:s17], [sflag:$0x3], $0x50, s30, s16, $0xb8;
	[tilespmem:$0x1FEF0] =	vst v63  }
0x3e: {  	s30 =	sadd.s32 $0x80, s29  }
0x3f: {  	[tilespmem:s19], [sflag:$0x2] =	stream.indirect.gather [spmem:s2], $0x50, s30, s16, $0xb8;
	[tilespmem:$0x1FEF0] =	vst v63  }
0x40: {  	_ =	swait.ge [sflag:s20], $0x2710  }
0x41: {  	[sflag:s20] =	ssyncset.done $0x0  }
0x42: {  	[sflag:s20] =	ssyncadd.s32 $0xFFFFD8F0  }
0x43: {  	_ =	swait.ge [sflag:s21], $0x2710  }
0x44: {  	[sflag:s21] =	ssyncset.done $0x0  }
0x45: {  	s30 =	sadd.s32 $0x1480, s29;
	[sflag:s21] =	ssyncadd.s32 $0xFFFFD8F0  }
0x46: {  	[spmem:s3] =	stream.indirect.scatter.add.bf16 [tilespmem:s19], [sflag:$0x4], $0x50, s30, s16, $0xb8;
	[tilespmem:$0x1FEF0] =	vst v63  }
.Ltmp0:
0x47: {  	_ = 	snop;
	(pc) =	sbr.rel @p0 .LBB2_2-.Ltmp0, $4  }
0x48: {  	s29 =	sadd.s32 $0x100, s29  }
0x49: {  	[tilespmem:s17], [sflag:$0x1] =	stream.indirect.gather [spmem:s2], $0x50, s29, s16, $0xb8;
	[tilespmem:$0x1FEF0] =	vst v63  }
0x4a: {  	_ =	swait.ge [sflag:s22], $0x2710  }
0x4b: {  	[sflag:s22] =	ssyncset.done $0x0  }
0x4c: {  	[sflag:s22] =	ssyncadd.s32 $0xFFFFD8F0  }
0x4d: {  	_ =	swait.ge [sflag:s18], $0x2710  }
0x4e: {  	[sflag:s18] =	ssyncset.done $0x0  }
0x4f: {  	[sflag:s18] =	ssyncadd.s32 $0xFFFFD8F0  }
0x50: {  	[spmem:s3] =	stream.indirect.scatter.add.bf16 [tilespmem:s17], [sflag:$0x3], $0x50, s23, s16, $0xb8;
	[tilespmem:$0x1FEF0] =	vst v63  }
0x51: {  	_ = 	snop  }
0x52: {  	[tilespmem:s19], [sflag:$0x2] =	stream.indirect.gather [spmem:s2], $0x50, s24, s16, $0xb8;
	[tilespmem:$0x1FEF0] =	vst v63  }
0x53: {  	_ =	swait.ge [sflag:s20], $0x2710  }
0x54: {  	[sflag:s20] =	ssyncset.done $0x0  }
0x55: {  	[sflag:s20] =	ssyncadd.s32 $0xFFFFD8F0  }
0x56: {  	_ =	swait.ge [sflag:s21], $0x2710  }
0x57: {  	[sflag:s21] =	ssyncset.done $0x0  }
0x58: {  	[sflag:s21] =	ssyncadd.s32 $0xFFFFD8F0  }
0x59: {  	[spmem:s3] =	stream.indirect.scatter.add.bf16 [tilespmem:s19], [sflag:$0x4], $0x50, s25, s16, $0xb8;
	[tilespmem:$0x1FEF0] =	vst v63  }
0x5a: {  	_ =	swait.ge [sflag:s22], $0x2710  }
0x5b: {  	s26 =	sadd.s32 $0x1, s26;
	[sflag:s22] =	ssyncset.done $0x0  }
0x5c: {  	p0 =	sne.s32 s26, s11;
	[sflag:s22] =	ssyncadd.s32 $0xFFFFD8F0  }
.Ltmp1:
0x5d: {  	[bflag:$0x0] =	sbarrier.arrive $0xFFFF;
	(pc) =	sbr.rel @p0 .LBB2_1-.Ltmp1, $4  }
0x5e: {  	[hbm:s10], [sflag:s6] =	dma.local [spmem:s14], $0x18B0  }
0x5f: {  	_ =	swait.ge [sflag:s13], $0x18B0  }
0x60: {  	[sflag:s13] =	ssyncset.done $0x0  }
0x61: {  	[sflag:s13] =	ssyncadd.s32 $0xFFFFE750  }
0x62: {  	_ =	sfence.sel $0x180000  }
0x63: {  	[bflag:$0x0] =	sbarrier.arrive $0xFFFF  }
0x64: {  	p0 =	sne.s32 s0, $0x0;
	_ =	strace $0x90000047  }
0x65: {  	s0 =	sadd.s32 @!p0 $0x100000, s1;
	[bflag:$0x2] =	sbarrier.arrive $0xFFFF  }
0x66: {  	[sflag:s0] =	ssyncadd.tile.s32 @!p0 $0x1;
	_ =	shalt  }
.Lfunc_end2:
_tile_overlayer_lowered:
.L_overlay_start_2:
0x67: {  	(tag) =	ssettag $0x2  }
0x68: {  	s0 =	rddreg [dreg:$0x0];
	s2 =	stileid.u32  }
0x69: {  	s1 =	rddreg [dreg:$0x1];
	p0 =	sne.s32 s2, $0x0  }
0x6a: {  	s3 =	rddreg [dreg:$0x2];
	[bflag:$0x3] =	sbarrier.arrive $0xFFFF;
	s2 =	simm.s32 @!p0 $0x1C05  }
0x6b: {  	[timem:s3], [sflag:s2] =	dma.local @!p0 [hbm:s0], s1  }
0x6c: {  	s0 =	simm.s32 @!p0 $0x5  }
0x6d: {  	_ =	swait.ge @!p0 [sflag:s0], s1  }
0x6e: {  	s1 =	ssub.s32 @!p0 $0x0, s1;
	[sflag:s0] =	ssyncset.done @!p0 $0x0  }
0x6f: {  	[sflag:s0] =	ssyncadd.s32 @!p0 s1  }
0x70: {  	[bflag:$0x3] =	sbarrier.arrive $0xFFFF  }
0x71: {  	_ =	shalt  }

</sc_bundles>
